<compile_context>
chip_gen: v7x
topology: tpu7x:2x2x1
jax: 0.10.2.dev20260603
libtpu: 0.0.44.dev20260713+nightly
codegen_flags: <defaults>
</compile_context>

<pallas_src>
import jax
import jax.numpy as jnp
from jax import lax
from jax.experimental import pallas as pl
from jax.experimental.pallas import tpu as pltpu
from jax.experimental.pallas import tpu_sc as plsc

NC = 2
NS = 16
L = 16
NW = NC * NS
B = 4096
D = 128
BPW = B // NW
G = BPW // L
H = BPW // 2
G2 = H // L
GAMMA = 12.0


def _sc_body(sample, ent, rel, out, sample_v,
             idxh0, idxh1, idxr0, idxr1, idxt0, idxt1,
             hr0, hr1, t0, t1, score_v,
             sem_ra0, sem_ra1, sem_rest0, sem_rest1):
    wid = lax.axis_index("s") * NC + lax.axis_index("c")
    base = wid * BPW

    pltpu.sync_copy(sample.at[pl.ds(base, BPW)], sample_v)

    lane = lax.iota(jnp.int32, L)
    for col, dsts in ((1, (idxr0, idxr1)), (0, (idxh0, idxh1)),
                      (2, (idxt0, idxt1))):
        cv = jnp.full((L,), col, dtype=jnp.int32)
        for g in range(G):
            rvec = lane + (g * L)
            dsts[g // G2][pl.ds((g % G2) * L, L)] = (
                plsc.load_gather(sample_v, [rvec, cv]))

    cr0 = pltpu.async_copy(rel.at[idxr0], hr0, sem_ra0)
    ct0 = pltpu.async_copy(ent.at[idxt0], t0, sem_rest0)
    cr1 = pltpu.async_copy(rel.at[idxr1], hr1, sem_ra1)
    ct1 = pltpu.async_copy(ent.at[idxt1], t1, sem_rest1)
    cr0.wait()
    ch0 = pltpu.async_copy(ent.at[idxh0], hr0, sem_rest0, add=True)
    cr1.wait()
    ch1 = pltpu.async_copy(ent.at[idxh1], hr1, sem_rest1, add=True)

    def reduce_half(hr_v, t_v, out_off):
        for g in range(G2):
            rvec = lane + (g * L)

            def body(d, carry):
                acc, dv = carry
                hr = plsc.load_gather(hr_v, [rvec, dv])
                t = plsc.load_gather(t_v, [rvec, dv])
                return (acc + jnp.abs(hr - t),
                        jnp.bitwise_and(dv + 1, D - 1))

            acc, _ = lax.fori_loop(0, D, body,
                                   (jnp.zeros((L,), jnp.float32), lane),
                                   unroll=8)
            score_v[pl.ds(out_off + g * L, L)] = GAMMA - acc

    ct0.wait()
    ch0.wait()
    reduce_half(hr0, t0, 0)
    ct1.wait()
    ch1.wait()
    reduce_half(hr1, t1, H)

    pltpu.sync_copy(score_v, out.at[pl.ds(base, BPW)])


@jax.jit
def kernel(sample, entity_embedding, relation_embedding):
    mesh = plsc.VectorSubcoreMesh(core_axis_name="c", subcore_axis_name="s",
                                  num_cores=NC, num_subcores=NS)
    run = pl.kernel(
        _sc_body,
        out_type=jax.ShapeDtypeStruct((B,), jnp.float32),
        mesh=mesh,
        compiler_params=pltpu.CompilerParams(needs_layout_passes=False),
        scratch_types=[
            pltpu.VMEM((BPW, 3), jnp.int32),
            pltpu.VMEM((H,), jnp.int32),
            pltpu.VMEM((H,), jnp.int32),
            pltpu.VMEM((H,), jnp.int32),
            pltpu.VMEM((H,), jnp.int32),
            pltpu.VMEM((H,), jnp.int32),
            pltpu.VMEM((H,), jnp.int32),
            pltpu.VMEM((H, D), jnp.float32),
            pltpu.VMEM((H, D), jnp.float32),
            pltpu.VMEM((H, D), jnp.float32),
            pltpu.VMEM((H, D), jnp.float32),
            pltpu.VMEM((BPW,), jnp.float32),
            pltpu.SemaphoreType.DMA,
            pltpu.SemaphoreType.DMA,
            pltpu.SemaphoreType.DMA,
            pltpu.SemaphoreType.DMA,
        ],
    )
    score = run(sample.astype(jnp.int32), entity_embedding, relation_embedding)
    return score.reshape(B, 1)

# --- scband reference (transcript-rebuilt; emitter-appended) ---
"""Pipeline reference for scband-kgemodel-82386062672444 (READ-ONLY COPY).

The authoritative reference and input builder live on the scoring server;
editing this copy changes nothing except your own understanding.
"""

import jax, jax.numpy as jnp
import numpy as np

NENTITY = 100000
NRELATION = 1000
HIDDEN = 128
GAMMA = 12.0
EMB_RANGE = 0.01
B = 4096


def setup_inputs(seed: int = 0) -> dict:
    key = jax.random.key(seed)
    k1, k2, k3 = jax.random.split(key, 3)
    # single randint in [0, NRELATION) keeps all three columns in-range for
    # both entity (col 0,2 < NENTITY) and relation (col 1 < NRELATION) lookups
    sample = jax.random.randint(k1, (B, 3), 0, NRELATION, dtype=jnp.int64) if jax.config.jax_enable_x64 else jax.random.randint(k1, (B, 3), 0, NRELATION, dtype=jnp.int32)
    entity_embedding = jax.random.uniform(k2, (NENTITY, HIDDEN), minval=-EMB_RANGE, maxval=EMB_RANGE, dtype=jnp.float32)
    relation_embedding = jax.random.uniform(k3, (NRELATION, HIDDEN), minval=-EMB_RANGE, maxval=EMB_RANGE, dtype=jnp.float32)
    return {"sample": sample, "entity_embedding": entity_embedding, "relation_embedding": relation_embedding}


def reference(sample, entity_embedding, relation_embedding):
    # mode == 'single', model_name == 'TransE'
    idx_h = sample[:, 0]
    idx_r = sample[:, 1]
    idx_t = sample[:, 2]
    head = jnp.take(entity_embedding, idx_h, axis=0)[:, None, :]
    relation = jnp.take(relation_embedding, idx_r, axis=0)[:, None, :]
    tail = jnp.take(entity_embedding, idx_t, axis=0)[:, None, :]
    score = head + relation - tail
    score = GAMMA - jnp.sum(jnp.abs(score), axis=2)  # L1 norm over dim 2
    return score

if __name__ == "__main__":
    import jax
    _d = setup_inputs()
    print(jax.jit(kernel)(*tuple(_d.values())))

</pallas_src>

<mosaic_0001>
#map = affine_map<(d0, d1) -> (0, 0)>
#map1 = affine_map<(d0, d1) -> (0)>
module attributes {stable_mosaic.version = 14 : i64} {
  func.func @_sc_body(%arg0: i32, %arg1: i32, %arg2: memref<4096x3xi32, #tpu.memory_space<hbm>>, %arg3: memref<100000x128xf32, #tpu.memory_space<hbm>>, %arg4: memref<1000x128xf32, #tpu.memory_space<hbm>>, %arg5: memref<4096xf32, #tpu.memory_space<hbm>>, %arg6: memref<128x3xi32, #tpu.memory_space<vmem>>, %arg7: memref<64xi32, #tpu.memory_space<vmem>>, %arg8: memref<64xi32, #tpu.memory_space<vmem>>, %arg9: memref<64xi32, #tpu.memory_space<vmem>>, %arg10: memref<64xi32, #tpu.memory_space<vmem>>, %arg11: memref<64xi32, #tpu.memory_space<vmem>>, %arg12: memref<64xi32, #tpu.memory_space<vmem>>, %arg13: memref<64x128xf32, #tpu.memory_space<vmem>>, %arg14: memref<64x128xf32, #tpu.memory_space<vmem>>, %arg15: memref<64x128xf32, #tpu.memory_space<vmem>>, %arg16: memref<64x128xf32, #tpu.memory_space<vmem>>, %arg17: memref<128xf32, #tpu.memory_space<vmem>>, %arg18: memref<!tpu.dma_semaphore, #tpu.memory_space<semaphore_mem>>, %arg19: memref<!tpu.dma_semaphore, #tpu.memory_space<semaphore_mem>>, %arg20: memref<!tpu.dma_semaphore, #tpu.memory_space<semaphore_mem>>, %arg21: memref<!tpu.dma_semaphore, #tpu.memory_space<semaphore_mem>>) attributes {dimension_semantics = [#tpu.dimension_semantics<core_parallel>, #tpu.dimension_semantics<subcore_parallel>], iteration_bounds = array<i64: 2, 16>, scalar_prefetch = 0 : i64, scratch_operands = 16 : i64, tpu.core_type = #tpu.core_type<sc_vector_subcore>, window_params = [{transform_indices = #map}, {transform_indices = #map}, {transform_indices = #map}, {transform_indices = #map1}]} {
    %mul3A = arith.constant 2 : i32
    %mul3A_0 = arith.muli %arg1, %mul3A : i32
    %add3A = arith.addi %mul3A_0, %arg0 : i32
    %mul3A_1 = arith.constant 128 : i32
    %mul3A_2 = arith.muli %add3A, %mul3A_1 : i32
    "tpu.region"() ({
      %run_scoped3A = tpu.sem_alloc : memref<!tpu.dma_semaphore, #tpu.memory_space<semaphore_mem>>
      %dma_start3A_310 = arith.constant 0 : i32
      %dma_start3A_311 = tpu.memref_slice %arg2[%mul3A_2, %dma_start3A_310] : memref<4096x3xi32, #tpu.memory_space<hbm>> -> memref<128x3xi32, #tpu.memory_space<hbm>>
      %dma_start3A_312 = arith.constant 0 : i32
      %dma_start3A_313 = tpu.memref_slice %arg2[%mul3A_2, %dma_start3A_312] : memref<4096x3xi32, #tpu.memory_space<hbm>> -> memref<128x3xi32, #tpu.memory_space<hbm>>
      tpu.enqueue_dma source(%dma_start3A_313 : memref<128x3xi32, #tpu.memory_space<hbm>>) target(%arg6 : memref<128x3xi32, #tpu.memory_space<vmem>>) target_semaphore(%run_scoped3A : memref<!tpu.dma_semaphore, #tpu.memory_space<semaphore_mem>>)
      %dma_wait3A_314 = arith.constant 0 : i32
      %dma_wait3A_315 = tpu.memref_slice %arg2[%mul3A_2, %dma_wait3A_314] : memref<4096x3xi32, #tpu.memory_space<hbm>> -> memref<128x3xi32, #tpu.memory_space<hbm>>
      %dma_wait3A_316 = arith.constant 0 : i32
      %dma_wait3A_317 = tpu.memref_slice %arg2[%mul3A_2, %dma_wait3A_316] : memref<4096x3xi32, #tpu.memory_space<hbm>> -> memref<128x3xi32, #tpu.memory_space<hbm>>
      tpu.wait_dma2 semaphore(%run_scoped3A : memref<!tpu.dma_semaphore, #tpu.memory_space<semaphore_mem>>) src(%dma_wait3A_317 : memref<128x3xi32, #tpu.memory_space<hbm>>) dst(%arg6 : memref<128x3xi32, #tpu.memory_space<vmem>>)
      tpu.yield
    }) : () -> ()
    %iota3A = tpu.iota {dimensions = array<i32: 0>} : vector<16xi32>
    %broadcast_in_dim3A = arith.constant 1 : i32
    %broadcast_in_dim3A_3 = vector.broadcast %broadcast_in_dim3A : i32 to vector<16xi32>
    %add3A_4 = arith.constant 0 : i32
    %add3A_5 = vector.broadcast %add3A_4 : i32 to vector<16xi32>
    %add3A_6 = arith.addi %iota3A, %add3A_5 : vector<16xi32>
    %gather3A = tpu.vector_load_idx %arg6[%add3A_6, %broadcast_in_dim3A_3] : memref<128x3xi32, #tpu.memory_space<vmem>>[vector<16xi32>, vector<16xi32>], vector<16xi32>,
    %swap3A = arith.constant 0 : index
    %swap3A_7 = tpu.vector_load %arg9[%swap3A] {strides = array<i32>} : memref<64xi32, #tpu.memory_space<vmem>>, vector<16xi32>,
    tpu.vector_store %arg9[%swap3A], %gather3A {strides = array<i32>} : memref<64xi32, #tpu.memory_space<vmem>>, vector<16xi32>,
    %add3A_8 = arith.constant 16 : i32
    %add3A_9 = vector.broadcast %add3A_8 : i32 to vector<16xi32>
    %add3A_10 = arith.addi %iota3A, %add3A_9 : vector<16xi32>
    %gather3A_11 = tpu.vector_load_idx %arg6[%add3A_10, %broadcast_in_dim3A_3] : memref<128x3xi32, #tpu.memory_space<vmem>>[vector<16xi32>, vector<16xi32>], vector<16xi32>,
    %swap3A_12 = arith.constant 16 : index
    %swap3A_13 = tpu.vector_load %arg9[%swap3A_12] {strides = array<i32>} : memref<64xi32, #tpu.memory_space<vmem>>, vector<16xi32>,
    tpu.vector_store %arg9[%swap3A_12], %gather3A_11 {strides = array<i32>} : memref<64xi32, #tpu.memory_space<vmem>>, vector<16xi32>,
    %add3A_14 = arith.constant 32 : i32
    %add3A_15 = vector.broadcast %add3A_14 : i32 to vector<16xi32>
    %add3A_16 = arith.addi %iota3A, %add3A_15 : vector<16xi32>
    %gather3A_17 = tpu.vector_load_idx %arg6[%add3A_16, %broadcast_in_dim3A_3] : memref<128x3xi32, #tpu.memory_space<vmem>>[vector<16xi32>, vector<16xi32>], vector<16xi32>,
    %swap3A_18 = arith.constant 32 : index
    %swap3A_19 = tpu.vector_load %arg9[%swap3A_18] {strides = array<i32>} : memref<64xi32, #tpu.memory_space<vmem>>, vector<16xi32>,
    tpu.vector_store %arg9[%swap3A_18], %gather3A_17 {strides = array<i32>} : memref<64xi32, #tpu.memory_space<vmem>>, vector<16xi32>,
    %add3A_20 = arith.constant 48 : i32
    %add3A_21 = vector.broadcast %add3A_20 : i32 to vector<16xi32>
    %add3A_22 = arith.addi %iota3A, %add3A_21 : vector<16xi32>
    %gather3A_23 = tpu.vector_load_idx %arg6[%add3A_22, %broadcast_in_dim3A_3] : memref<128x3xi32, #tpu.memory_space<vmem>>[vector<16xi32>, vector<16xi32>], vector<16xi32>,
    %swap3A_24 = arith.constant 48 : index
    %swap3A_25 = tpu.vector_load %arg9[%swap3A_24] {strides = array<i32>} : memref<64xi32, #tpu.memory_space<vmem>>, vector<16xi32>,
    tpu.vector_store %arg9[%swap3A_24], %gather3A_23 {strides = array<i32>} : memref<64xi32, #tpu.memory_space<vmem>>, vector<16xi32>,
    %add3A_26 = arith.constant 64 : i32
    %add3A_27 = vector.broadcast %add3A_26 : i32 to vector<16xi32>
    %add3A_28 = arith.addi %iota3A, %add3A_27 : vector<16xi32>
    %gather3A_29 = tpu.vector_load_idx %arg6[%add3A_28, %broadcast_in_dim3A_3] : memref<128x3xi32, #tpu.memory_space<vmem>>[vector<16xi32>, vector<16xi32>], vector<16xi32>,
    %swap3A_30 = arith.constant 0 : index
    %swap3A_31 = tpu.vector_load %arg10[%swap3A_30] {strides = array<i32>} : memref<64xi32, #tpu.memory_space<vmem>>, vector<16xi32>,
    tpu.vector_store %arg10[%swap3A_30], %gather3A_29 {strides = array<i32>} : memref<64xi32, #tpu.memory_space<vmem>>, vector<16xi32>,
    %add3A_32 = arith.constant 80 : i32
    %add3A_33 = vector.broadcast %add3A_32 : i32 to vector<16xi32>
    %add3A_34 = arith.addi %iota3A, %add3A_33 : vector<16xi32>
    %gather3A_35 = tpu.vector_load_idx %arg6[%add3A_34, %broadcast_in_dim3A_3] : memref<128x3xi32, #tpu.memory_space<vmem>>[vector<16xi32>, vector<16xi32>], vector<16xi32>,
    %swap3A_36 = arith.constant 16 : index
    %swap3A_37 = tpu.vector_load %arg10[%swap3A_36] {strides = array<i32>} : memref<64xi32, #tpu.memory_space<vmem>>, vector<16xi32>,
    tpu.vector_store %arg10[%swap3A_36], %gather3A_35 {strides = array<i32>} : memref<64xi32, #tpu.memory_space<vmem>>, vector<16xi32>,
    %add3A_38 = arith.constant 96 : i32
    %add3A_39 = vector.broadcast %add3A_38 : i32 to vector<16xi32>
    %add3A_40 = arith.addi %iota3A, %add3A_39 : vector<16xi32>
    %gather3A_41 = tpu.vector_load_idx %arg6[%add3A_40, %broadcast_in_dim3A_3] : memref<128x3xi32, #tpu.memory_space<vmem>>[vector<16xi32>, vector<16xi32>], vector<16xi32>,
    %swap3A_42 = arith.constant 32 : index
    %swap3A_43 = tpu.vector_load %arg10[%swap3A_42] {strides = array<i32>} : memref<64xi32, #tpu.memory_space<vmem>>, vector<16xi32>,
    tpu.vector_store %arg10[%swap3A_42], %gather3A_41 {strides = array<i32>} : memref<64xi32, #tpu.memory_space<vmem>>, vector<16xi32>,
    %add3A_44 = arith.constant 112 : i32
    %add3A_45 = vector.broadcast %add3A_44 : i32 to vector<16xi32>
    %add3A_46 = arith.addi %iota3A, %add3A_45 : vector<16xi32>
    %gather3A_47 = tpu.vector_load_idx %arg6[%add3A_46, %broadcast_in_dim3A_3] : memref<128x3xi32, #tpu.memory_space<vmem>>[vector<16xi32>, vector<16xi32>], vector<16xi32>,
    %swap3A_48 = arith.constant 48 : index
    %swap3A_49 = tpu.vector_load %arg10[%swap3A_48] {strides = array<i32>} : memref<64xi32, #tpu.memory_space<vmem>>, vector<16xi32>,
    tpu.vector_store %arg10[%swap3A_48], %gather3A_47 {strides = array<i32>} : memref<64xi32, #tpu.memory_space<vmem>>, vector<16xi32>,
    %broadcast_in_dim3A_50 = arith.constant 0 : i32
    %broadcast_in_dim3A_51 = vector.broadcast %broadcast_in_dim3A_50 : i32 to vector<16xi32>
    %add3A_52 = arith.constant 0 : i32
    %add3A_53 = vector.broadcast %add3A_52 : i32 to vector<16xi32>
    %add3A_54 = arith.addi %iota3A, %add3A_53 : vector<16xi32>
    %gather3A_55 = tpu.vector_load_idx %arg6[%add3A_54, %broadcast_in_dim3A_51] : memref<128x3xi32, #tpu.memory_space<vmem>>[vector<16xi32>, vector<16xi32>], vector<16xi32>,
    %swap3A_56 = arith.constant 0 : index
    %swap3A_57 = tpu.vector_load %arg7[%swap3A_56] {strides = array<i32>} : memref<64xi32, #tpu.memory_space<vmem>>, vector<16xi32>,
    tpu.vector_store %arg7[%swap3A_56], %gather3A_55 {strides = array<i32>} : memref<64xi32, #tpu.memory_space<vmem>>, vector<16xi32>,
    %add3A_58 = arith.constant 16 : i32
    %add3A_59 = vector.broadcast %add3A_58 : i32 to vector<16xi32>
    %add3A_60 = arith.addi %iota3A, %add3A_59 : vector<16xi32>
    %gather3A_61 = tpu.vector_load_idx %arg6[%add3A_60, %broadcast_in_dim3A_51] : memref<128x3xi32, #tpu.memory_space<vmem>>[vector<16xi32>, vector<16xi32>], vector<16xi32>,
    %swap3A_62 = arith.constant 16 : index
    %swap3A_63 = tpu.vector_load %arg7[%swap3A_62] {strides = array<i32>} : memref<64xi32, #tpu.memory_space<vmem>>, vector<16xi32>,
    tpu.vector_store %arg7[%swap3A_62], %gather3A_61 {strides = array<i32>} : memref<64xi32, #tpu.memory_space<vmem>>, vector<16xi32>,
    %add3A_64 = arith.constant 32 : i32
    %add3A_65 = vector.broadcast %add3A_64 : i32 to vector<16xi32>
    %add3A_66 = arith.addi %iota3A, %add3A_65 : vector<16xi32>
    %gather3A_67 = tpu.vector_load_idx %arg6[%add3A_66, %broadcast_in_dim3A_51] : memref<128x3xi32, #tpu.memory_space<vmem>>[vector<16xi32>, vector<16xi32>], vector<16xi32>,
    %swap3A_68 = arith.constant 32 : index
    %swap3A_69 = tpu.vector_load %arg7[%swap3A_68] {strides = array<i32>} : memref<64xi32, #tpu.memory_space<vmem>>, vector<16xi32>,
    tpu.vector_store %arg7[%swap3A_68], %gather3A_67 {strides = array<i32>} : memref<64xi32, #tpu.memory_space<vmem>>, vector<16xi32>,
    %add3A_70 = arith.constant 48 : i32
    %add3A_71 = vector.broadcast %add3A_70 : i32 to vector<16xi32>
    %add3A_72 = arith.addi %iota3A, %add3A_71 : vector<16xi32>
    %gather3A_73 = tpu.vector_load_idx %arg6[%add3A_72, %broadcast_in_dim3A_51] : memref<128x3xi32, #tpu.memory_space<vmem>>[vector<16xi32>, vector<16xi32>], vector<16xi32>,
    %swap3A_74 = arith.constant 48 : index
    %swap3A_75 = tpu.vector_load %arg7[%swap3A_74] {strides = array<i32>} : memref<64xi32, #tpu.memory_space<vmem>>, vector<16xi32>,
    tpu.vector_store %arg7[%swap3A_74], %gather3A_73 {strides = array<i32>} : memref<64xi32, #tpu.memory_space<vmem>>, vector<16xi32>,
    %add3A_76 = arith.constant 64 : i32
    %add3A_77 = vector.broadcast %add3A_76 : i32 to vector<16xi32>
    %add3A_78 = arith.addi %iota3A, %add3A_77 : vector<16xi32>
    %gather3A_79 = tpu.vector_load_idx %arg6[%add3A_78, %broadcast_in_dim3A_51] : memref<128x3xi32, #tpu.memory_space<vmem>>[vector<16xi32>, vector<16xi32>], vector<16xi32>,
    %swap3A_80 = arith.constant 0 : index
    %swap3A_81 = tpu.vector_load %arg8[%swap3A_80] {strides = array<i32>} : memref<64xi32, #tpu.memory_space<vmem>>, vector<16xi32>,
    tpu.vector_store %arg8[%swap3A_80], %gather3A_79 {strides = array<i32>} : memref<64xi32, #tpu.memory_space<vmem>>, vector<16xi32>,
    %add3A_82 = arith.constant 80 : i32
    %add3A_83 = vector.broadcast %add3A_82 : i32 to vector<16xi32>
    %add3A_84 = arith.addi %iota3A, %add3A_83 : vector<16xi32>
    %gather3A_85 = tpu.vector_load_idx %arg6[%add3A_84, %broadcast_in_dim3A_51] : memref<128x3xi32, #tpu.memory_space<vmem>>[vector<16xi32>, vector<16xi32>], vector<16xi32>,
    %swap3A_86 = arith.constant 16 : index
    %swap3A_87 = tpu.vector_load %arg8[%swap3A_86] {strides = array<i32>} : memref<64xi32, #tpu.memory_space<vmem>>, vector<16xi32>,
    tpu.vector_store %arg8[%swap3A_86], %gather3A_85 {strides = array<i32>} : memref<64xi32, #tpu.memory_space<vmem>>, vector<16xi32>,
    %add3A_88 = arith.constant 96 : i32
    %add3A_89 = vector.broadcast %add3A_88 : i32 to vector<16xi32>
    %add3A_90 = arith.addi %iota3A, %add3A_89 : vector<16xi32>
    %gather3A_91 = tpu.vector_load_idx %arg6[%add3A_90, %broadcast_in_dim3A_51] : memref<128x3xi32, #tpu.memory_space<vmem>>[vector<16xi32>, vector<16xi32>], vector<16xi32>,
    %swap3A_92 = arith.constant 32 : index
    %swap3A_93 = tpu.vector_load %arg8[%swap3A_92] {strides = array<i32>} : memref<64xi32, #tpu.memory_space<vmem>>, vector<16xi32>,
    tpu.vector_store %arg8[%swap3A_92], %gather3A_91 {strides = array<i32>} : memref<64xi32, #tpu.memory_space<vmem>>, vector<16xi32>,
    %add3A_94 = arith.constant 112 : i32
    %add3A_95 = vector.broadcast %add3A_94 : i32 to vector<16xi32>
    %add3A_96 = arith.addi %iota3A, %add3A_95 : vector<16xi32>
    %gather3A_97 = tpu.vector_load_idx %arg6[%add3A_96, %broadcast_in_dim3A_51] : memref<128x3xi32, #tpu.memory_space<vmem>>[vector<16xi32>, vector<16xi32>], vector<16xi32>,
    %swap3A_98 = arith.constant 48 : index
    %swap3A_99 = tpu.vector_load %arg8[%swap3A_98] {strides = array<i32>} : memref<64xi32, #tpu.memory_space<vmem>>, vector<16xi32>,
    tpu.vector_store %arg8[%swap3A_98], %gather3A_97 {strides = array<i32>} : memref<64xi32, #tpu.memory_space<vmem>>, vector<16xi32>,
    %broadcast_in_dim3A_100 = arith.constant 2 : i32
    %broadcast_in_dim3A_101 = vector.broadcast %broadcast_in_dim3A_100 : i32 to vector<16xi32>
    %add3A_102 = arith.constant 0 : i32
    %add3A_103 = vector.broadcast %add3A_102 : i32 to vector<16xi32>
    %add3A_104 = arith.addi %iota3A, %add3A_103 : vector<16xi32>
    %gather3A_105 = tpu.vector_load_idx %arg6[%add3A_104, %broadcast_in_dim3A_101] : memref<128x3xi32, #tpu.memory_space<vmem>>[vector<16xi32>, vector<16xi32>], vector<16xi32>,
    %swap3A_106 = arith.constant 0 : index
    %swap3A_107 = tpu.vector_load %arg11[%swap3A_106] {strides = array<i32>} : memref<64xi32, #tpu.memory_space<vmem>>, vector<16xi32>,
    tpu.vector_store %arg11[%swap3A_106], %gather3A_105 {strides = array<i32>} : memref<64xi32, #tpu.memory_space<vmem>>, vector<16xi32>,
    %add3A_108 = arith.constant 16 : i32
    %add3A_109 = vector.broadcast %add3A_108 : i32 to vector<16xi32>
    %add3A_110 = arith.addi %iota3A, %add3A_109 : vector<16xi32>
    %gather3A_111 = tpu.vector_load_idx %arg6[%add3A_110, %broadcast_in_dim3A_101] : memref<128x3xi32, #tpu.memory_space<vmem>>[vector<16xi32>, vector<16xi32>], vector<16xi32>,
    %swap3A_112 = arith.constant 16 : index
    %swap3A_113 = tpu.vector_load %arg11[%swap3A_112] {strides = array<i32>} : memref<64xi32, #tpu.memory_space<vmem>>, vector<16xi32>,
    tpu.vector_store %arg11[%swap3A_112], %gather3A_111 {strides = array<i32>} : memref<64xi32, #tpu.memory_space<vmem>>, vector<16xi32>,
    %add3A_114 = arith.constant 32 : i32
    %add3A_115 = vector.broadcast %add3A_114 : i32 to vector<16xi32>
    %add3A_116 = arith.addi %iota3A, %add3A_115 : vector<16xi32>
    %gather3A_117 = tpu.vector_load_idx %arg6[%add3A_116, %broadcast_in_dim3A_101] : memref<128x3xi32, #tpu.memory_space<vmem>>[vector<16xi32>, vector<16xi32>], vector<16xi32>,
    %swap3A_118 = arith.constant 32 : index
    %swap3A_119 = tpu.vector_load %arg11[%swap3A_118] {strides = array<i32>} : memref<64xi32, #tpu.memory_space<vmem>>, vector<16xi32>,
    tpu.vector_store %arg11[%swap3A_118], %gather3A_117 {strides = array<i32>} : memref<64xi32, #tpu.memory_space<vmem>>, vector<16xi32>,
    %add3A_120 = arith.constant 48 : i32
    %add3A_121 = vector.broadcast %add3A_120 : i32 to vector<16xi32>
    %add3A_122 = arith.addi %iota3A, %add3A_121 : vector<16xi32>
    %gather3A_123 = tpu.vector_load_idx %arg6[%add3A_122, %broadcast_in_dim3A_101] : memref<128x3xi32, #tpu.memory_space<vmem>>[vector<16xi32>, vector<16xi32>], vector<16xi32>,
    %swap3A_124 = arith.constant 48 : index
    %swap3A_125 = tpu.vector_load %arg11[%swap3A_124] {strides = array<i32>} : memref<64xi32, #tpu.memory_space<vmem>>, vector<16xi32>,
    tpu.vector_store %arg11[%swap3A_124], %gather3A_123 {strides = array<i32>} : memref<64xi32, #tpu.memory_space<vmem>>, vector<16xi32>,
    %add3A_126 = arith.constant 64 : i32
    %add3A_127 = vector.broadcast %add3A_126 : i32 to vector<16xi32>
    %add3A_128 = arith.addi %iota3A, %add3A_127 : vector<16xi32>
    %gather3A_129 = tpu.vector_load_idx %arg6[%add3A_128, %broadcast_in_dim3A_101] : memref<128x3xi32, #tpu.memory_space<vmem>>[vector<16xi32>, vector<16xi32>], vector<16xi32>,
    %swap3A_130 = arith.constant 0 : index
    %swap3A_131 = tpu.vector_load %arg12[%swap3A_130] {strides = array<i32>} : memref<64xi32, #tpu.memory_space<vmem>>, vector<16xi32>,
    tpu.vector_store %arg12[%swap3A_130], %gather3A_129 {strides = array<i32>} : memref<64xi32, #tpu.memory_space<vmem>>, vector<16xi32>,
    %add3A_132 = arith.constant 80 : i32
    %add3A_133 = vector.broadcast %add3A_132 : i32 to vector<16xi32>
    %add3A_134 = arith.addi %iota3A, %add3A_133 : vector<16xi32>
    %gather3A_135 = tpu.vector_load_idx %arg6[%add3A_134, %broadcast_in_dim3A_101] : memref<128x3xi32, #tpu.memory_space<vmem>>[vector<16xi32>, vector<16xi32>], vector<16xi32>,
    %swap3A_136 = arith.constant 16 : index
    %swap3A_137 = tpu.vector_load %arg12[%swap3A_136] {strides = array<i32>} : memref<64xi32, #tpu.memory_space<vmem>>, vector<16xi32>,
    tpu.vector_store %arg12[%swap3A_136], %gather3A_135 {strides = array<i32>} : memref<64xi32, #tpu.memory_space<vmem>>, vector<16xi32>,
    %add3A_138 = arith.constant 96 : i32
    %add3A_139 = vector.broadcast %add3A_138 : i32 to vector<16xi32>
    %add3A_140 = arith.addi %iota3A, %add3A_139 : vector<16xi32>
    %gather3A_141 = tpu.vector_load_idx %arg6[%add3A_140, %broadcast_in_dim3A_101] : memref<128x3xi32, #tpu.memory_space<vmem>>[vector<16xi32>, vector<16xi32>], vector<16xi32>,
    %swap3A_142 = arith.constant 32 : index
    %swap3A_143 = tpu.vector_load %arg12[%swap3A_142] {strides = array<i32>} : memref<64xi32, #tpu.memory_space<vmem>>, vector<16xi32>,
    tpu.vector_store %arg12[%swap3A_142], %gather3A_141 {strides = array<i32>} : memref<64xi32, #tpu.memory_space<vmem>>, vector<16xi32>,
    %add3A_144 = arith.constant 112 : i32
    %add3A_145 = vector.broadcast %add3A_144 : i32 to vector<16xi32>
    %add3A_146 = arith.addi %iota3A, %add3A_145 : vector<16xi32>
    %gather3A_147 = tpu.vector_load_idx %arg6[%add3A_146, %broadcast_in_dim3A_101] : memref<128x3xi32, #tpu.memory_space<vmem>>[vector<16xi32>, vector<16xi32>], vector<16xi32>,
    %swap3A_148 = arith.constant 48 : index
    %swap3A_149 = tpu.vector_load %arg12[%swap3A_148] {strides = array<i32>} : memref<64xi32, #tpu.memory_space<vmem>>, vector<16xi32>,
    tpu.vector_store %arg12[%swap3A_148], %gather3A_147 {strides = array<i32>} : memref<64xi32, #tpu.memory_space<vmem>>, vector<16xi32>,
    %dma_start3A = arith.constant 0 : i32
    %dma_start3A_150 = arith.constant 0 : i32
    %dma_start3A_151 = tpu.memref_slice %arg4[%dma_start3A, %dma_start3A_150] : memref<1000x128xf32, #tpu.memory_space<hbm>> -> memref<1000x128xf32, #tpu.memory_space<hbm>>
    tpu.enqueue_indirect_dma source(%dma_start3A_151 : memref<1000x128xf32, #tpu.memory_space<hbm>>) target(%arg13 : memref<64x128xf32, #tpu.memory_space<vmem>>) offsets(%arg9 : memref<64xi32, #tpu.memory_space<vmem>>) semaphore(%arg18 : memref<!tpu.dma_semaphore, #tpu.memory_space<semaphore_mem>>)
    %dma_start3A_152 = arith.constant 0 : i32
    %dma_start3A_153 = arith.constant 0 : i32
    %dma_start3A_154 = tpu.memref_slice %arg3[%dma_start3A_152, %dma_start3A_153] : memref<100000x128xf32, #tpu.memory_space<hbm>> -> memref<100000x128xf32, #tpu.memory_space<hbm>>
    tpu.enqueue_indirect_dma source(%dma_start3A_154 : memref<100000x128xf32, #tpu.memory_space<hbm>>) target(%arg15 : memref<64x128xf32, #tpu.memory_space<vmem>>) offsets(%arg11 : memref<64xi32, #tpu.memory_space<vmem>>) semaphore(%arg20 : memref<!tpu.dma_semaphore, #tpu.memory_space<semaphore_mem>>)
    %dma_start3A_155 = arith.constant 0 : i32
    %dma_start3A_156 = arith.constant 0 : i32
    %dma_start3A_157 = tpu.memref_slice %arg4[%dma_start3A_155, %dma_start3A_156] : memref<1000x128xf32, #tpu.memory_space<hbm>> -> memref<1000x128xf32, #tpu.memory_space<hbm>>
    tpu.enqueue_indirect_dma source(%dma_start3A_157 : memref<1000x128xf32, #tpu.memory_space<hbm>>) target(%arg14 : memref<64x128xf32, #tpu.memory_space<vmem>>) offsets(%arg10 : memref<64xi32, #tpu.memory_space<vmem>>) semaphore(%arg19 : memref<!tpu.dma_semaphore, #tpu.memory_space<semaphore_mem>>)
    %dma_start3A_158 = arith.constant 0 : i32
    %dma_start3A_159 = arith.constant 0 : i32
    %dma_start3A_160 = tpu.memref_slice %arg3[%dma_start3A_158, %dma_start3A_159] : memref<100000x128xf32, #tpu.memory_space<hbm>> -> memref<100000x128xf32, #tpu.memory_space<hbm>>
    tpu.enqueue_indirect_dma source(%dma_start3A_160 : memref<100000x128xf32, #tpu.memory_space<hbm>>) target(%arg16 : memref<64x128xf32, #tpu.memory_space<vmem>>) offsets(%arg12 : memref<64xi32, #tpu.memory_space<vmem>>) semaphore(%arg21 : memref<!tpu.dma_semaphore, #tpu.memory_space<semaphore_mem>>)
    %dma_wait3A = arith.constant 0 : i32
    %dma_wait3A_161 = arith.constant 0 : i32
    %dma_wait3A_162 = tpu.memref_slice %arg4[%dma_wait3A, %dma_wait3A_161] : memref<1000x128xf32, #tpu.memory_space<hbm>> -> memref<1000x128xf32, #tpu.memory_space<hbm>>
    tpu.wait_indirect_dma semaphore(%arg18 : memref<!tpu.dma_semaphore, #tpu.memory_space<semaphore_mem>>) src(%dma_wait3A_162 : memref<1000x128xf32, #tpu.memory_space<hbm>>) dst(%arg13 : memref<64x128xf32, #tpu.memory_space<vmem>>)
    %dma_start3A_163 = arith.constant 0 : i32
    %dma_start3A_164 = arith.constant 0 : i32
    %dma_start3A_165 = tpu.memref_slice %arg3[%dma_start3A_163, %dma_start3A_164] : memref<100000x128xf32, #tpu.memory_space<hbm>> -> memref<100000x128xf32, #tpu.memory_space<hbm>>
    tpu.enqueue_indirect_dma source(%dma_start3A_165 : memref<100000x128xf32, #tpu.memory_space<hbm>>) target(%arg13 : memref<64x128xf32, #tpu.memory_space<vmem>>) offsets(%arg7 : memref<64xi32, #tpu.memory_space<vmem>>) semaphore(%arg20 : memref<!tpu.dma_semaphore, #tpu.memory_space<semaphore_mem>>) {add = true}
    %dma_wait3A_166 = arith.constant 0 : i32
    %dma_wait3A_167 = arith.constant 0 : i32
    %dma_wait3A_168 = tpu.memref_slice %arg4[%dma_wait3A_166, %dma_wait3A_167] : memref<1000x128xf32, #tpu.memory_space<hbm>> -> memref<1000x128xf32, #tpu.memory_space<hbm>>
    tpu.wait_indirect_dma semaphore(%arg19 : memref<!tpu.dma_semaphore, #tpu.memory_space<semaphore_mem>>) src(%dma_wait3A_168 : memref<1000x128xf32, #tpu.memory_space<hbm>>) dst(%arg14 : memref<64x128xf32, #tpu.memory_space<vmem>>)
    %dma_start3A_169 = arith.constant 0 : i32
    %dma_start3A_170 = arith.constant 0 : i32
    %dma_start3A_171 = tpu.memref_slice %arg3[%dma_start3A_169, %dma_start3A_170] : memref<100000x128xf32, #tpu.memory_space<hbm>> -> memref<100000x128xf32, #tpu.memory_space<hbm>>
    tpu.enqueue_indirect_dma source(%dma_start3A_171 : memref<100000x128xf32, #tpu.memory_space<hbm>>) target(%arg14 : memref<64x128xf32, #tpu.memory_space<vmem>>) offsets(%arg8 : memref<64xi32, #tpu.memory_space<vmem>>) semaphore(%arg21 : memref<!tpu.dma_semaphore, #tpu.memory_space<semaphore_mem>>) {add = true}
    %dma_wait3A_172 = arith.constant 0 : i32
    %dma_wait3A_173 = arith.constant 0 : i32
    %dma_wait3A_174 = tpu.memref_slice %arg3[%dma_wait3A_172, %dma_wait3A_173] : memref<100000x128xf32, #tpu.memory_space<hbm>> -> memref<100000x128xf32, #tpu.memory_space<hbm>>
    tpu.wait_indirect_dma semaphore(%arg20 : memref<!tpu.dma_semaphore, #tpu.memory_space<semaphore_mem>>) src(%dma_wait3A_174 : memref<100000x128xf32, #tpu.memory_space<hbm>>) dst(%arg15 : memref<64x128xf32, #tpu.memory_space<vmem>>)
    %dma_wait3A_175 = arith.constant 0 : i32
    %dma_wait3A_176 = arith.constant 0 : i32
    %dma_wait3A_177 = tpu.memref_slice %arg3[%dma_wait3A_175, %dma_wait3A_176] : memref<100000x128xf32, #tpu.memory_space<hbm>> -> memref<100000x128xf32, #tpu.memory_space<hbm>>
    tpu.wait_indirect_dma semaphore(%arg20 : memref<!tpu.dma_semaphore, #tpu.memory_space<semaphore_mem>>) src(%dma_wait3A_177 : memref<100000x128xf32, #tpu.memory_space<hbm>>) dst(%arg13 : memref<64x128xf32, #tpu.memory_space<vmem>>)
    %add3A_178 = arith.constant 0 : i32
    %add3A_179 = vector.broadcast %add3A_178 : i32 to vector<16xi32>
    %add3A_180 = arith.addi %iota3A, %add3A_179 : vector<16xi32>
    %broadcast_in_dim3A_181 = arith.constant 0.000000e+00 : f32
    %broadcast_in_dim3A_182 = vector.broadcast %broadcast_in_dim3A_181 : f32 to vector<16xf32>
    %scan3A = arith.constant 0 : i32
    %scan3A_183 = arith.constant 128 : i32
    %scan3A_184 = arith.addi %scan3A, %scan3A_183 : i32
    %scan3A_185 = arith.constant 8 : i32
    %scan3A_186:2 = scf.for %scan3A_310 = %scan3A to %scan3A_184 step %scan3A_185 iter_args(%scan3A_311 = %broadcast_in_dim3A_182, %scan3A_312 = %iota3A) -> (vector<16xf32>, vector<16xi32>)  : i32 {
      %gather3A_313 = tpu.vector_load_idx %arg13[%add3A_180, %scan3A_312] : memref<64x128xf32, #tpu.memory_space<vmem>>[vector<16xi32>, vector<16xi32>], vector<16xf32>,
      %gather3A_314 = tpu.vector_load_idx %arg15[%add3A_180, %scan3A_312] : memref<64x128xf32, #tpu.memory_space<vmem>>[vector<16xi32>, vector<16xi32>], vector<16xf32>,
      %sub3A_315 = arith.subf %gather3A_313, %gather3A_314 : vector<16xf32>
      %abs3A = math.absf %sub3A_315 : vector<16xf32>
      %add3A_316 = arith.addf %scan3A_311, %abs3A : vector<16xf32>
      %add3A_317 = arith.constant 1 : i32
      %add3A_318 = vector.broadcast %add3A_317 : i32 to vector<16xi32>
      %add3A_319 = arith.addi %scan3A_312, %add3A_318 : vector<16xi32>
      %and3A = arith.constant 127 : i32
      %and3A_320 = vector.broadcast %and3A : i32 to vector<16xi32>
      %and3A_321 = arith.andi %add3A_319, %and3A_320 : vector<16xi32>
      %scan3A_322 = arith.constant 1 : i32
      %scan3A_323 = arith.addi %scan3A_310, %scan3A_322 : i32
      %gather3A_324 = tpu.vector_load_idx %arg13[%add3A_180, %and3A_321] : memref<64x128xf32, #tpu.memory_space<vmem>>[vector<16xi32>, vector<16xi32>], vector<16xf32>,
      %gather3A_325 = tpu.vector_load_idx %arg15[%add3A_180, %and3A_321] : memref<64x128xf32, #tpu.memory_space<vmem>>[vector<16xi32>, vector<16xi32>], vector<16xf32>,
      %sub3A_326 = arith.subf %gather3A_324, %gather3A_325 : vector<16xf32>
      %abs3A_327 = math.absf %sub3A_326 : vector<16xf32>
      %add3A_328 = arith.addf %add3A_316, %abs3A_327 : vector<16xf32>
      %add3A_329 = arith.constant 1 : i32
      %add3A_330 = vector.broadcast %add3A_329 : i32 to vector<16xi32>
      %add3A_331 = arith.addi %and3A_321, %add3A_330 : vector<16xi32>
      %and3A_332 = arith.constant 127 : i32
      %and3A_333 = vector.broadcast %and3A_332 : i32 to vector<16xi32>
      %and3A_334 = arith.andi %add3A_331, %and3A_333 : vector<16xi32>
      %scan3A_335 = arith.constant 2 : i32
      %scan3A_336 = arith.addi %scan3A_310, %scan3A_335 : i32
      %gather3A_337 = tpu.vector_load_idx %arg13[%add3A_180, %and3A_334] : memref<64x128xf32, #tpu.memory_space<vmem>>[vector<16xi32>, vector<16xi32>], vector<16xf32>,
      %gather3A_338 = tpu.vector_load_idx %arg15[%add3A_180, %and3A_334] : memref<64x128xf32, #tpu.memory_space<vmem>>[vector<16xi32>, vector<16xi32>], vector<16xf32>,
      %sub3A_339 = arith.subf %gather3A_337, %gather3A_338 : vector<16xf32>
      %abs3A_340 = math.absf %sub3A_339 : vector<16xf32>
      %add3A_341 = arith.addf %add3A_328, %abs3A_340 : vector<16xf32>
      %add3A_342 = arith.constant 1 : i32
      %add3A_343 = vector.broadcast %add3A_342 : i32 to vector<16xi32>
      %add3A_344 = arith.addi %and3A_334, %add3A_343 : vector<16xi32>
      %and3A_345 = arith.constant 127 : i32
      %and3A_346 = vector.broadcast %and3A_345 : i32 to vector<16xi32>
      %and3A_347 = arith.andi %add3A_344, %and3A_346 : vector<16xi32>
      %scan3A_348 = arith.constant 3 : i32
      %scan3A_349 = arith.addi %scan3A_310, %scan3A_348 : i32
      %gather3A_350 = tpu.vector_load_idx %arg13[%add3A_180, %and3A_347] : memref<64x128xf32, #tpu.memory_space<vmem>>[vector<16xi32>, vector<16xi32>], vector<16xf32>,
      %gather3A_351 = tpu.vector_load_idx %arg15[%add3A_180, %and3A_347] : memref<64x128xf32, #tpu.memory_space<vmem>>[vector<16xi32>, vector<16xi32>], vector<16xf32>,
      %sub3A_352 = arith.subf %gather3A_350, %gather3A_351 : vector<16xf32>
      %abs3A_353 = math.absf %sub3A_352 : vector<16xf32>
      %add3A_354 = arith.addf %add3A_341, %abs3A_353 : vector<16xf32>
      %add3A_355 = arith.constant 1 : i32
      %add3A_356 = vector.broadcast %add3A_355 : i32 to vector<16xi32>
      %add3A_357 = arith.addi %and3A_347, %add3A_356 : vector<16xi32>
      %and3A_358 = arith.constant 127 : i32
      %and3A_359 = vector.broadcast %and3A_358 : i32 to vector<16xi32>
      %and3A_360 = arith.andi %add3A_357, %and3A_359 : vector<16xi32>
      %scan3A_361 = arith.constant 4 : i32
      %scan3A_362 = arith.addi %scan3A_310, %scan3A_361 : i32
      %gather3A_363 = tpu.vector_load_idx %arg13[%add3A_180, %and3A_360] : memref<64x128xf32, #tpu.memory_space<vmem>>[vector<16xi32>, vector<16xi32>], vector<16xf32>,
      %gather3A_364 = tpu.vector_load_idx %arg15[%add3A_180, %and3A_360] : memref<64x128xf32, #tpu.memory_space<vmem>>[vector<16xi32>, vector<16xi32>], vector<16xf32>,
      %sub3A_365 = arith.subf %gather3A_363, %gather3A_364 : vector<16xf32>
      %abs3A_366 = math.absf %sub3A_365 : vector<16xf32>
      %add3A_367 = arith.addf %add3A_354, %abs3A_366 : vector<16xf32>
      %add3A_368 = arith.constant 1 : i32
      %add3A_369 = vector.broadcast %add3A_368 : i32 to vector<16xi32>
      %add3A_370 = arith.addi %and3A_360, %add3A_369 : vector<16xi32>
      %and3A_371 = arith.constant 127 : i32
      %and3A_372 = vector.broadcast %and3A_371 : i32 to vector<16xi32>
      %and3A_373 = arith.andi %add3A_370, %and3A_372 : vector<16xi32>
      %scan3A_374 = arith.constant 5 : i32
      %scan3A_375 = arith.addi %scan3A_310, %scan3A_374 : i32
      %gather3A_376 = tpu.vector_load_idx %arg13[%add3A_180, %and3A_373] : memref<64x128xf32, #tpu.memory_space<vmem>>[vector<16xi32>, vector<16xi32>], vector<16xf32>,
      %gather3A_377 = tpu.vector_load_idx %arg15[%add3A_180, %and3A_373] : memref<64x128xf32, #tpu.memory_space<vmem>>[vector<16xi32>, vector<16xi32>], vector<16xf32>,
      %sub3A_378 = arith.subf %gather3A_376, %gather3A_377 : vector<16xf32>
      %abs3A_379 = math.absf %sub3A_378 : vector<16xf32>
      %add3A_380 = arith.addf %add3A_367, %abs3A_379 : vector<16xf32>
      %add3A_381 = arith.constant 1 : i32
      %add3A_382 = vector.broadcast %add3A_381 : i32 to vector<16xi32>
      %add3A_383 = arith.addi %and3A_373, %add3A_382 : vector<16xi32>
      %and3A_384 = arith.constant 127 : i32
      %and3A_385 = vector.broadcast %and3A_384 : i32 to vector<16xi32>
      %and3A_386 = arith.andi %add3A_383, %and3A_385 : vector<16xi32>
      %scan3A_387 = arith.constant 6 : i32
      %scan3A_388 = arith.addi %scan3A_310, %scan3A_387 : i32
      %gather3A_389 = tpu.vector_load_idx %arg13[%add3A_180, %and3A_386] : memref<64x128xf32, #tpu.memory_space<vmem>>[vector<16xi32>, vector<16xi32>], vector<16xf32>,
      %gather3A_390 = tpu.vector_load_idx %arg15[%add3A_180, %and3A_386] : memref<64x128xf32, #tpu.memory_space<vmem>>[vector<16xi32>, vector<16xi32>], vector<16xf32>,
      %sub3A_391 = arith.subf %gather3A_389, %gather3A_390 : vector<16xf32>
      %abs3A_392 = math.absf %sub3A_391 : vector<16xf32>
      %add3A_393 = arith.addf %add3A_380, %abs3A_392 : vector<16xf32>
      %add3A_394 = arith.constant 1 : i32
      %add3A_395 = vector.broadcast %add3A_394 : i32 to vector<16xi32>
      %add3A_396 = arith.addi %and3A_386, %add3A_395 : vector<16xi32>
      %and3A_397 = arith.constant 127 : i32
      %and3A_398 = vector.broadcast %and3A_397 : i32 to vector<16xi32>
      %and3A_399 = arith.andi %add3A_396, %and3A_398 : vector<16xi32>
      %scan3A_400 = arith.constant 7 : i32
      %scan3A_401 = arith.addi %scan3A_310, %scan3A_400 : i32
      %gather3A_402 = tpu.vector_load_idx %arg13[%add3A_180, %and3A_399] : memref<64x128xf32, #tpu.memory_space<vmem>>[vector<16xi32>, vector<16xi32>], vector<16xf32>,
      %gather3A_403 = tpu.vector_load_idx %arg15[%add3A_180, %and3A_399] : memref<64x128xf32, #tpu.memory_space<vmem>>[vector<16xi32>, vector<16xi32>], vector<16xf32>,
      %sub3A_404 = arith.subf %gather3A_402, %gather3A_403 : vector<16xf32>
      %abs3A_405 = math.absf %sub3A_404 : vector<16xf32>
      %add3A_406 = arith.addf %add3A_393, %abs3A_405 : vector<16xf32>
      %add3A_407 = arith.constant 1 : i32
      %add3A_408 = vector.broadcast %add3A_407 : i32 to vector<16xi32>
      %add3A_409 = arith.addi %and3A_399, %add3A_408 : vector<16xi32>
      %and3A_410 = arith.constant 127 : i32
      %and3A_411 = vector.broadcast %and3A_410 : i32 to vector<16xi32>
      %and3A_412 = arith.andi %add3A_409, %and3A_411 : vector<16xi32>
      scf.yield %add3A_406, %and3A_412 : vector<16xf32>, vector<16xi32>
    }
    %scan3A_187 = arith.constant 128 : i32
    %sub3A = arith.constant 1.200000e+01 : f32
    %sub3A_188 = vector.broadcast %sub3A : f32 to vector<16xf32>
    %sub3A_189 = arith.subf %sub3A_188, %scan3A_186#0 : vector<16xf32>
    %swap3A_190 = arith.constant 0 : index
    %swap3A_191 = tpu.vector_load %arg17[%swap3A_190] {strides = array<i32>} : memref<128xf32, #tpu.memory_space<vmem>>, vector<16xf32>,
    tpu.vector_store %arg17[%swap3A_190], %sub3A_189 {strides = array<i32>} : memref<128xf32, #tpu.memory_space<vmem>>, vector<16xf32>,
    %add3A_192 = arith.constant 16 : i32
    %add3A_193 = vector.broadcast %add3A_192 : i32 to vector<16xi32>
    %add3A_194 = arith.addi %iota3A, %add3A_193 : vector<16xi32>
    %broadcast_in_dim3A_195 = arith.constant 0.000000e+00 : f32
    %broadcast_in_dim3A_196 = vector.broadcast %broadcast_in_dim3A_195 : f32 to vector<16xf32>
    %scan3A_197 = arith.constant 0 : i32
    %scan3A_198 = arith.constant 128 : i32
    %scan3A_199 = arith.addi %scan3A_197, %scan3A_198 : i32
    %scan3A_200 = arith.constant 8 : i32
    %scan3A_201:2 = scf.for %scan3A_310 = %scan3A_197 to %scan3A_199 step %scan3A_200 iter_args(%scan3A_311 = %broadcast_in_dim3A_196, %scan3A_312 = %iota3A) -> (vector<16xf32>, vector<16xi32>)  : i32 {
      %gather3A_313 = tpu.vector_load_idx %arg13[%add3A_194, %scan3A_312] : memref<64x128xf32, #tpu.memory_space<vmem>>[vector<16xi32>, vector<16xi32>], vector<16xf32>,
      %gather3A_314 = tpu.vector_load_idx %arg15[%add3A_194, %scan3A_312] : memref<64x128xf32, #tpu.memory_space<vmem>>[vector<16xi32>, vector<16xi32>], vector<16xf32>,
      %sub3A_315 = arith.subf %gather3A_313, %gather3A_314 : vector<16xf32>
      %abs3A = math.absf %sub3A_315 : vector<16xf32>
      %add3A_316 = arith.addf %scan3A_311, %abs3A : vector<16xf32>
      %add3A_317 = arith.constant 1 : i32
      %add3A_318 = vector.broadcast %add3A_317 : i32 to vector<16xi32>
      %add3A_319 = arith.addi %scan3A_312, %add3A_318 : vector<16xi32>
      %and3A = arith.constant 127 : i32
      %and3A_320 = vector.broadcast %and3A : i32 to vector<16xi32>
      %and3A_321 = arith.andi %add3A_319, %and3A_320 : vector<16xi32>
      %scan3A_322 = arith.constant 1 : i32
      %scan3A_323 = arith.addi %scan3A_310, %scan3A_322 : i32
      %gather3A_324 = tpu.vector_load_idx %arg13[%add3A_194, %and3A_321] : memref<64x128xf32, #tpu.memory_space<vmem>>[vector<16xi32>, vector<16xi32>], vector<16xf32>,
      %gather3A_325 = tpu.vector_load_idx %arg15[%add3A_194, %and3A_321] : memref<64x128xf32, #tpu.memory_space<vmem>>[vector<16xi32>, vector<16xi32>], vector<16xf32>,
      %sub3A_326 = arith.subf %gather3A_324, %gather3A_325 : vector<16xf32>
      %abs3A_327 = math.absf %sub3A_326 : vector<16xf32>
      %add3A_328 = arith.addf %add3A_316, %abs3A_327 : vector<16xf32>
      %add3A_329 = arith.constant 1 : i32
      %add3A_330 = vector.broadcast %add3A_329 : i32 to vector<16xi32>
      %add3A_331 = arith.addi %and3A_321, %add3A_330 : vector<16xi32>
      %and3A_332 = arith.constant 127 : i32
      %and3A_333 = vector.broadcast %and3A_332 : i32 to vector<16xi32>
      %and3A_334 = arith.andi %add3A_331, %and3A_333 : vector<16xi32>
      %scan3A_335 = arith.constant 2 : i32
      %scan3A_336 = arith.addi %scan3A_310, %scan3A_335 : i32
      %gather3A_337 = tpu.vector_load_idx %arg13[%add3A_194, %and3A_334] : memref<64x128xf32, #tpu.memory_space<vmem>>[vector<16xi32>, vector<16xi32>], vector<16xf32>,
      %gather3A_338 = tpu.vector_load_idx %arg15[%add3A_194, %and3A_334] : memref<64x128xf32, #tpu.memory_space<vmem>>[vector<16xi32>, vector<16xi32>], vector<16xf32>,
      %sub3A_339 = arith.subf %gather3A_337, %gather3A_338 : vector<16xf32>
      %abs3A_340 = math.absf %sub3A_339 : vector<16xf32>
      %add3A_341 = arith.addf %add3A_328, %abs3A_340 : vector<16xf32>
      %add3A_342 = arith.constant 1 : i32
      %add3A_343 = vector.broadcast %add3A_342 : i32 to vector<16xi32>
      %add3A_344 = arith.addi %and3A_334, %add3A_343 : vector<16xi32>
      %and3A_345 = arith.constant 127 : i32
      %and3A_346 = vector.broadcast %and3A_345 : i32 to vector<16xi32>
      %and3A_347 = arith.andi %add3A_344, %and3A_346 : vector<16xi32>
      %scan3A_348 = arith.constant 3 : i32
      %scan3A_349 = arith.addi %scan3A_310, %scan3A_348 : i32
      %gather3A_350 = tpu.vector_load_idx %arg13[%add3A_194, %and3A_347] : memref<64x128xf32, #tpu.memory_space<vmem>>[vector<16xi32>, vector<16xi32>], vector<16xf32>,
      %gather3A_351 = tpu.vector_load_idx %arg15[%add3A_194, %and3A_347] : memref<64x128xf32, #tpu.memory_space<vmem>>[vector<16xi32>, vector<16xi32>], vector<16xf32>,
      %sub3A_352 = arith.subf %gather3A_350, %gather3A_351 : vector<16xf32>
      %abs3A_353 = math.absf %sub3A_352 : vector<16xf32>
      %add3A_354 = arith.addf %add3A_341, %abs3A_353 : vector<16xf32>
      %add3A_355 = arith.constant 1 : i32
      %add3A_356 = vector.broadcast %add3A_355 : i32 to vector<16xi32>
      %add3A_357 = arith.addi %and3A_347, %add3A_356 : vector<16xi32>
      %and3A_358 = arith.constant 127 : i32
      %and3A_359 = vector.broadcast %and3A_358 : i32 to vector<16xi32>
      %and3A_360 = arith.andi %add3A_357, %and3A_359 : vector<16xi32>
      %scan3A_361 = arith.constant 4 : i32
      %scan3A_362 = arith.addi %scan3A_310, %scan3A_361 : i32
      %gather3A_363 = tpu.vector_load_idx %arg13[%add3A_194, %and3A_360] : memref<64x128xf32, #tpu.memory_space<vmem>>[vector<16xi32>, vector<16xi32>], vector<16xf32>,
      %gather3A_364 = tpu.vector_load_idx %arg15[%add3A_194, %and3A_360] : memref<64x128xf32, #tpu.memory_space<vmem>>[vector<16xi32>, vector<16xi32>], vector<16xf32>,
      %sub3A_365 = arith.subf %gather3A_363, %gather3A_364 : vector<16xf32>
      %abs3A_366 = math.absf %sub3A_365 : vector<16xf32>
      %add3A_367 = arith.addf %add3A_354, %abs3A_366 : vector<16xf32>
      %add3A_368 = arith.constant 1 : i32
      %add3A_369 = vector.broadcast %add3A_368 : i32 to vector<16xi32>
      %add3A_370 = arith.addi %and3A_360, %add3A_369 : vector<16xi32>
      %and3A_371 = arith.constant 127 : i32
      %and3A_372 = vector.broadcast %and3A_371 : i32 to vector<16xi32>
      %and3A_373 = arith.andi %add3A_370, %and3A_372 : vector<16xi32>
      %scan3A_374 = arith.constant 5 : i32
      %scan3A_375 = arith.addi %scan3A_310, %scan3A_374 : i32
      %gather3A_376 = tpu.vector_load_idx %arg13[%add3A_194, %and3A_373] : memref<64x128xf32, #tpu.memory_space<vmem>>[vector<16xi32>, vector<16xi32>], vector<16xf32>,
      %gather3A_377 = tpu.vector_load_idx %arg15[%add3A_194, %and3A_373] : memref<64x128xf32, #tpu.memory_space<vmem>>[vector<16xi32>, vector<16xi32>], vector<16xf32>,
      %sub3A_378 = arith.subf %gather3A_376, %gather3A_377 : vector<16xf32>
      %abs3A_379 = math.absf %sub3A_378 : vector<16xf32>
      %add3A_380 = arith.addf %add3A_367, %abs3A_379 : vector<16xf32>
      %add3A_381 = arith.constant 1 : i32
      %add3A_382 = vector.broadcast %add3A_381 : i32 to vector<16xi32>
      %add3A_383 = arith.addi %and3A_373, %add3A_382 : vector<16xi32>
      %and3A_384 = arith.constant 127 : i32
      %and3A_385 = vector.broadcast %and3A_384 : i32 to vector<16xi32>
      %and3A_386 = arith.andi %add3A_383, %and3A_385 : vector<16xi32>
      %scan3A_387 = arith.constant 6 : i32
      %scan3A_388 = arith.addi %scan3A_310, %scan3A_387 : i32
      %gather3A_389 = tpu.vector_load_idx %arg13[%add3A_194, %and3A_386] : memref<64x128xf32, #tpu.memory_space<vmem>>[vector<16xi32>, vector<16xi32>], vector<16xf32>,
      %gather3A_390 = tpu.vector_load_idx %arg15[%add3A_194, %and3A_386] : memref<64x128xf32, #tpu.memory_space<vmem>>[vector<16xi32>, vector<16xi32>], vector<16xf32>,
      %sub3A_391 = arith.subf %gather3A_389, %gather3A_390 : vector<16xf32>
      %abs3A_392 = math.absf %sub3A_391 : vector<16xf32>
      %add3A_393 = arith.addf %add3A_380, %abs3A_392 : vector<16xf32>
      %add3A_394 = arith.constant 1 : i32
      %add3A_395 = vector.broadcast %add3A_394 : i32 to vector<16xi32>
      %add3A_396 = arith.addi %and3A_386, %add3A_395 : vector<16xi32>
      %and3A_397 = arith.constant 127 : i32
      %and3A_398 = vector.broadcast %and3A_397 : i32 to vector<16xi32>
      %and3A_399 = arith.andi %add3A_396, %and3A_398 : vector<16xi32>
      %scan3A_400 = arith.constant 7 : i32
      %scan3A_401 = arith.addi %scan3A_310, %scan3A_400 : i32
      %gather3A_402 = tpu.vector_load_idx %arg13[%add3A_194, %and3A_399] : memref<64x128xf32, #tpu.memory_space<vmem>>[vector<16xi32>, vector<16xi32>], vector<16xf32>,
      %gather3A_403 = tpu.vector_load_idx %arg15[%add3A_194, %and3A_399] : memref<64x128xf32, #tpu.memory_space<vmem>>[vector<16xi32>, vector<16xi32>], vector<16xf32>,
      %sub3A_404 = arith.subf %gather3A_402, %gather3A_403 : vector<16xf32>
      %abs3A_405 = math.absf %sub3A_404 : vector<16xf32>
      %add3A_406 = arith.addf %add3A_393, %abs3A_405 : vector<16xf32>
      %add3A_407 = arith.constant 1 : i32
      %add3A_408 = vector.broadcast %add3A_407 : i32 to vector<16xi32>
      %add3A_409 = arith.addi %and3A_399, %add3A_408 : vector<16xi32>
      %and3A_410 = arith.constant 127 : i32
      %and3A_411 = vector.broadcast %and3A_410 : i32 to vector<16xi32>
      %and3A_412 = arith.andi %add3A_409, %and3A_411 : vector<16xi32>
      scf.yield %add3A_406, %and3A_412 : vector<16xf32>, vector<16xi32>
    }
    %scan3A_202 = arith.constant 128 : i32
    %sub3A_203 = arith.constant 1.200000e+01 : f32
    %sub3A_204 = vector.broadcast %sub3A_203 : f32 to vector<16xf32>
    %sub3A_205 = arith.subf %sub3A_204, %scan3A_201#0 : vector<16xf32>
    %swap3A_206 = arith.constant 16 : index
    %swap3A_207 = tpu.vector_load %arg17[%swap3A_206] {strides = array<i32>} : memref<128xf32, #tpu.memory_space<vmem>>, vector<16xf32>,
    tpu.vector_store %arg17[%swap3A_206], %sub3A_205 {strides = array<i32>} : memref<128xf32, #tpu.memory_space<vmem>>, vector<16xf32>,
    %add3A_208 = arith.constant 32 : i32
    %add3A_209 = vector.broadcast %add3A_208 : i32 to vector<16xi32>
    %add3A_210 = arith.addi %iota3A, %add3A_209 : vector<16xi32>
    %broadcast_in_dim3A_211 = arith.constant 0.000000e+00 : f32
    %broadcast_in_dim3A_212 = vector.broadcast %broadcast_in_dim3A_211 : f32 to vector<16xf32>
    %scan3A_213 = arith.constant 0 : i32
    %scan3A_214 = arith.constant 128 : i32
    %scan3A_215 = arith.addi %scan3A_213, %scan3A_214 : i32
    %scan3A_216 = arith.constant 8 : i32
    %scan3A_217:2 = scf.for %scan3A_310 = %scan3A_213 to %scan3A_215 step %scan3A_216 iter_args(%scan3A_311 = %broadcast_in_dim3A_212, %scan3A_312 = %iota3A) -> (vector<16xf32>, vector<16xi32>)  : i32 {
      %gather3A_313 = tpu.vector_load_idx %arg13[%add3A_210, %scan3A_312] : memref<64x128xf32, #tpu.memory_space<vmem>>[vector<16xi32>, vector<16xi32>], vector<16xf32>,
      %gather3A_314 = tpu.vector_load_idx %arg15[%add3A_210, %scan3A_312] : memref<64x128xf32, #tpu.memory_space<vmem>>[vector<16xi32>, vector<16xi32>], vector<16xf32>,
      %sub3A_315 = arith.subf %gather3A_313, %gather3A_314 : vector<16xf32>
      %abs3A = math.absf %sub3A_315 : vector<16xf32>
      %add3A_316 = arith.addf %scan3A_311, %abs3A : vector<16xf32>
      %add3A_317 = arith.constant 1 : i32
      %add3A_318 = vector.broadcast %add3A_317 : i32 to vector<16xi32>
      %add3A_319 = arith.addi %scan3A_312, %add3A_318 : vector<16xi32>
      %and3A = arith.constant 127 : i32
      %and3A_320 = vector.broadcast %and3A : i32 to vector<16xi32>
      %and3A_321 = arith.andi %add3A_319, %and3A_320 : vector<16xi32>
      %scan3A_322 = arith.constant 1 : i32
      %scan3A_323 = arith.addi %scan3A_310, %scan3A_322 : i32
      %gather3A_324 = tpu.vector_load_idx %arg13[%add3A_210, %and3A_321] : memref<64x128xf32, #tpu.memory_space<vmem>>[vector<16xi32>, vector<16xi32>], vector<16xf32>,
      %gather3A_325 = tpu.vector_load_idx %arg15[%add3A_210, %and3A_321] : memref<64x128xf32, #tpu.memory_space<vmem>>[vector<16xi32>, vector<16xi32>], vector<16xf32>,
      %sub3A_326 = arith.subf %gather3A_324, %gather3A_325 : vector<16xf32>
      %abs3A_327 = math.absf %sub3A_326 : vector<16xf32>
      %add3A_328 = arith.addf %add3A_316, %abs3A_327 : vector<16xf32>
      %add3A_329 = arith.constant 1 : i32
      %add3A_330 = vector.broadcast %add3A_329 : i32 to vector<16xi32>
      %add3A_331 = arith.addi %and3A_321, %add3A_330 : vector<16xi32>
      %and3A_332 = arith.constant 127 : i32
      %and3A_333 = vector.broadcast %and3A_332 : i32 to vector<16xi32>
      %and3A_334 = arith.andi %add3A_331, %and3A_333 : vector<16xi32>
      %scan3A_335 = arith.constant 2 : i32
      %scan3A_336 = arith.addi %scan3A_310, %scan3A_335 : i32
      %gather3A_337 = tpu.vector_load_idx %arg13[%add3A_210, %and3A_334] : memref<64x128xf32, #tpu.memory_space<vmem>>[vector<16xi32>, vector<16xi32>], vector<16xf32>,
      %gather3A_338 = tpu.vector_load_idx %arg15[%add3A_210, %and3A_334] : memref<64x128xf32, #tpu.memory_space<vmem>>[vector<16xi32>, vector<16xi32>], vector<16xf32>,
      %sub3A_339 = arith.subf %gather3A_337, %gather3A_338 : vector<16xf32>
      %abs3A_340 = math.absf %sub3A_339 : vector<16xf32>
      %add3A_341 = arith.addf %add3A_328, %abs3A_340 : vector<16xf32>
      %add3A_342 = arith.constant 1 : i32
      %add3A_343 = vector.broadcast %add3A_342 : i32 to vector<16xi32>
      %add3A_344 = arith.addi %and3A_334, %add3A_343 : vector<16xi32>
      %and3A_345 = arith.constant 127 : i32
      %and3A_346 = vector.broadcast %and3A_345 : i32 to vector<16xi32>
      %and3A_347 = arith.andi %add3A_344, %and3A_346 : vector<16xi32>
      %scan3A_348 = arith.constant 3 : i32
      %scan3A_349 = arith.addi %scan3A_310, %scan3A_348 : i32
      %gather3A_350 = tpu.vector_load_idx %arg13[%add3A_210, %and3A_347] : memref<64x128xf32, #tpu.memory_space<vmem>>[vector<16xi32>, vector<16xi32>], vector<16xf32>,
      %gather3A_351 = tpu.vector_load_idx %arg15[%add3A_210, %and3A_347] : memref<64x128xf32, #tpu.memory_space<vmem>>[vector<16xi32>, vector<16xi32>], vector<16xf32>,
      %sub3A_352 = arith.subf %gather3A_350, %gather3A_351 : vector<16xf32>
      %abs3A_353 = math.absf %sub3A_352 : vector<16xf32>
      %add3A_354 = arith.addf %add3A_341, %abs3A_353 : vector<16xf32>
      %add3A_355 = arith.constant 1 : i32
      %add3A_356 = vector.broadcast %add3A_355 : i32 to vector<16xi32>
      %add3A_357 = arith.addi %and3A_347, %add3A_356 : vector<16xi32>
      %and3A_358 = arith.constant 127 : i32
      %and3A_359 = vector.broadcast %and3A_358 : i32 to vector<16xi32>
      %and3A_360 = arith.andi %add3A_357, %and3A_359 : vector<16xi32>
      %scan3A_361 = arith.constant 4 : i32
      %scan3A_362 = arith.addi %scan3A_310, %scan3A_361 : i32
      %gather3A_363 = tpu.vector_load_idx %arg13[%add3A_210, %and3A_360] : memref<64x128xf32, #tpu.memory_space<vmem>>[vector<16xi32>, vector<16xi32>], vector<16xf32>,
      %gather3A_364 = tpu.vector_load_idx %arg15[%add3A_210, %and3A_360] : memref<64x128xf32, #tpu.memory_space<vmem>>[vector<16xi32>, vector<16xi32>], vector<16xf32>,
      %sub3A_365 = arith.subf %gather3A_363, %gather3A_364 : vector<16xf32>
      %abs3A_366 = math.absf %sub3A_365 : vector<16xf32>
      %add3A_367 = arith.addf %add3A_354, %abs3A_366 : vector<16xf32>
      %add3A_368 = arith.constant 1 : i32
      %add3A_369 = vector.broadcast %add3A_368 : i32 to vector<16xi32>
      %add3A_370 = arith.addi %and3A_360, %add3A_369 : vector<16xi32>
      %and3A_371 = arith.constant 127 : i32
      %and3A_372 = vector.broadcast %and3A_371 : i32 to vector<16xi32>
      %and3A_373 = arith.andi %add3A_370, %and3A_372 : vector<16xi32>
      %scan3A_374 = arith.constant 5 : i32
      %scan3A_375 = arith.addi %scan3A_310, %scan3A_374 : i32
      %gather3A_376 = tpu.vector_load_idx %arg13[%add3A_210, %and3A_373] : memref<64x128xf32, #tpu.memory_space<vmem>>[vector<16xi32>, vector<16xi32>], vector<16xf32>,
      %gather3A_377 = tpu.vector_load_idx %arg15[%add3A_210, %and3A_373] : memref<64x128xf32, #tpu.memory_space<vmem>>[vector<16xi32>, vector<16xi32>], vector<16xf32>,
      %sub3A_378 = arith.subf %gather3A_376, %gather3A_377 : vector<16xf32>
      %abs3A_379 = math.absf %sub3A_378 : vector<16xf32>
      %add3A_380 = arith.addf %add3A_367, %abs3A_379 : vector<16xf32>
      %add3A_381 = arith.constant 1 : i32
      %add3A_382 = vector.broadcast %add3A_381 : i32 to vector<16xi32>
      %add3A_383 = arith.addi %and3A_373, %add3A_382 : vector<16xi32>
      %and3A_384 = arith.constant 127 : i32
      %and3A_385 = vector.broadcast %and3A_384 : i32 to vector<16xi32>
      %and3A_386 = arith.andi %add3A_383, %and3A_385 : vector<16xi32>
      %scan3A_387 = arith.constant 6 : i32
      %scan3A_388 = arith.addi %scan3A_310, %scan3A_387 : i32
      %gather3A_389 = tpu.vector_load_idx %arg13[%add3A_210, %and3A_386] : memref<64x128xf32, #tpu.memory_space<vmem>>[vector<16xi32>, vector<16xi32>], vector<16xf32>,
      %gather3A_390 = tpu.vector_load_idx %arg15[%add3A_210, %and3A_386] : memref<64x128xf32, #tpu.memory_space<vmem>>[vector<16xi32>, vector<16xi32>], vector<16xf32>,
      %sub3A_391 = arith.subf %gather3A_389, %gather3A_390 : vector<16xf32>
      %abs3A_392 = math.absf %sub3A_391 : vector<16xf32>
      %add3A_393 = arith.addf %add3A_380, %abs3A_392 : vector<16xf32>
      %add3A_394 = arith.constant 1 : i32
      %add3A_395 = vector.broadcast %add3A_394 : i32 to vector<16xi32>
      %add3A_396 = arith.addi %and3A_386, %add3A_395 : vector<16xi32>
      %and3A_397 = arith.constant 127 : i32
      %and3A_398 = vector.broadcast %and3A_397 : i32 to vector<16xi32>
      %and3A_399 = arith.andi %add3A_396, %and3A_398 : vector<16xi32>
      %scan3A_400 = arith.constant 7 : i32
      %scan3A_401 = arith.addi %scan3A_310, %scan3A_400 : i32
      %gather3A_402 = tpu.vector_load_idx %arg13[%add3A_210, %and3A_399] : memref<64x128xf32, #tpu.memory_space<vmem>>[vector<16xi32>, vector<16xi32>], vector<16xf32>,
      %gather3A_403 = tpu.vector_load_idx %arg15[%add3A_210, %and3A_399] : memref<64x128xf32, #tpu.memory_space<vmem>>[vector<16xi32>, vector<16xi32>], vector<16xf32>,
      %sub3A_404 = arith.subf %gather3A_402, %gather3A_403 : vector<16xf32>
      %abs3A_405 = math.absf %sub3A_404 : vector<16xf32>
      %add3A_406 = arith.addf %add3A_393, %abs3A_405 : vector<16xf32>
      %add3A_407 = arith.constant 1 : i32
      %add3A_408 = vector.broadcast %add3A_407 : i32 to vector<16xi32>
      %add3A_409 = arith.addi %and3A_399, %add3A_408 : vector<16xi32>
      %and3A_410 = arith.constant 127 : i32
      %and3A_411 = vector.broadcast %and3A_410 : i32 to vector<16xi32>
      %and3A_412 = arith.andi %add3A_409, %and3A_411 : vector<16xi32>
      scf.yield %add3A_406, %and3A_412 : vector<16xf32>, vector<16xi32>
    }
    %scan3A_218 = arith.constant 128 : i32
    %sub3A_219 = arith.constant 1.200000e+01 : f32
    %sub3A_220 = vector.broadcast %sub3A_219 : f32 to vector<16xf32>
    %sub3A_221 = arith.subf %sub3A_220, %scan3A_217#0 : vector<16xf32>
    %swap3A_222 = arith.constant 32 : index
    %swap3A_223 = tpu.vector_load %arg17[%swap3A_222] {strides = array<i32>} : memref<128xf32, #tpu.memory_space<vmem>>, vector<16xf32>,
    tpu.vector_store %arg17[%swap3A_222], %sub3A_221 {strides = array<i32>} : memref<128xf32, #tpu.memory_space<vmem>>, vector<16xf32>,
    %add3A_224 = arith.constant 48 : i32
    %add3A_225 = vector.broadcast %add3A_224 : i32 to vector<16xi32>
    %add3A_226 = arith.addi %iota3A, %add3A_225 : vector<16xi32>
    %broadcast_in_dim3A_227 = arith.constant 0.000000e+00 : f32
    %broadcast_in_dim3A_228 = vector.broadcast %broadcast_in_dim3A_227 : f32 to vector<16xf32>
    %scan3A_229 = arith.constant 0 : i32
    %scan3A_230 = arith.constant 128 : i32
    %scan3A_231 = arith.addi %scan3A_229, %scan3A_230 : i32
    %scan3A_232 = arith.constant 8 : i32
    %scan3A_233:2 = scf.for %scan3A_310 = %scan3A_229 to %scan3A_231 step %scan3A_232 iter_args(%scan3A_311 = %broadcast_in_dim3A_228, %scan3A_312 = %iota3A) -> (vector<16xf32>, vector<16xi32>)  : i32 {
      %gather3A_313 = tpu.vector_load_idx %arg13[%add3A_226, %scan3A_312] : memref<64x128xf32, #tpu.memory_space<vmem>>[vector<16xi32>, vector<16xi32>], vector<16xf32>,
      %gather3A_314 = tpu.vector_load_idx %arg15[%add3A_226, %scan3A_312] : memref<64x128xf32, #tpu.memory_space<vmem>>[vector<16xi32>, vector<16xi32>], vector<16xf32>,
      %sub3A_315 = arith.subf %gather3A_313, %gather3A_314 : vector<16xf32>
      %abs3A = math.absf %sub3A_315 : vector<16xf32>
      %add3A_316 = arith.addf %scan3A_311, %abs3A : vector<16xf32>
      %add3A_317 = arith.constant 1 : i32
      %add3A_318 = vector.broadcast %add3A_317 : i32 to vector<16xi32>
      %add3A_319 = arith.addi %scan3A_312, %add3A_318 : vector<16xi32>
      %and3A = arith.constant 127 : i32
      %and3A_320 = vector.broadcast %and3A : i32 to vector<16xi32>
      %and3A_321 = arith.andi %add3A_319, %and3A_320 : vector<16xi32>
      %scan3A_322 = arith.constant 1 : i32
      %scan3A_323 = arith.addi %scan3A_310, %scan3A_322 : i32
      %gather3A_324 = tpu.vector_load_idx %arg13[%add3A_226, %and3A_321] : memref<64x128xf32, #tpu.memory_space<vmem>>[vector<16xi32>, vector<16xi32>], vector<16xf32>,
      %gather3A_325 = tpu.vector_load_idx %arg15[%add3A_226, %and3A_321] : memref<64x128xf32, #tpu.memory_space<vmem>>[vector<16xi32>, vector<16xi32>], vector<16xf32>,
      %sub3A_326 = arith.subf %gather3A_324, %gather3A_325 : vector<16xf32>
      %abs3A_327 = math.absf %sub3A_326 : vector<16xf32>
      %add3A_328 = arith.addf %add3A_316, %abs3A_327 : vector<16xf32>
      %add3A_329 = arith.constant 1 : i32
      %add3A_330 = vector.broadcast %add3A_329 : i32 to vector<16xi32>
      %add3A_331 = arith.addi %and3A_321, %add3A_330 : vector<16xi32>
      %and3A_332 = arith.constant 127 : i32
      %and3A_333 = vector.broadcast %and3A_332 : i32 to vector<16xi32>
      %and3A_334 = arith.andi %add3A_331, %and3A_333 : vector<16xi32>
      %scan3A_335 = arith.constant 2 : i32
      %scan3A_336 = arith.addi %scan3A_310, %scan3A_335 : i32
      %gather3A_337 = tpu.vector_load_idx %arg13[%add3A_226, %and3A_334] : memref<64x128xf32, #tpu.memory_space<vmem>>[vector<16xi32>, vector<16xi32>], vector<16xf32>,
      %gather3A_338 = tpu.vector_load_idx %arg15[%add3A_226, %and3A_334] : memref<64x128xf32, #tpu.memory_space<vmem>>[vector<16xi32>, vector<16xi32>], vector<16xf32>,
      %sub3A_339 = arith.subf %gather3A_337, %gather3A_338 : vector<16xf32>
      %abs3A_340 = math.absf %sub3A_339 : vector<16xf32>
      %add3A_341 = arith.addf %add3A_328, %abs3A_340 : vector<16xf32>
      %add3A_342 = arith.constant 1 : i32
      %add3A_343 = vector.broadcast %add3A_342 : i32 to vector<16xi32>
      %add3A_344 = arith.addi %and3A_334, %add3A_343 : vector<16xi32>
      %and3A_345 = arith.constant 127 : i32
      %and3A_346 = vector.broadcast %and3A_345 : i32 to vector<16xi32>
      %and3A_347 = arith.andi %add3A_344, %and3A_346 : vector<16xi32>
      %scan3A_348 = arith.constant 3 : i32
      %scan3A_349 = arith.addi %scan3A_310, %scan3A_348 : i32
      %gather3A_350 = tpu.vector_load_idx %arg13[%add3A_226, %and3A_347] : memref<64x128xf32, #tpu.memory_space<vmem>>[vector<16xi32>, vector<16xi32>], vector<16xf32>,
      %gather3A_351 = tpu.vector_load_idx %arg15[%add3A_226, %and3A_347] : memref<64x128xf32, #tpu.memory_space<vmem>>[vector<16xi32>, vector<16xi32>], vector<16xf32>,
      %sub3A_352 = arith.subf %gather3A_350, %gather3A_351 : vector<16xf32>
      %abs3A_353 = math.absf %sub3A_352 : vector<16xf32>
      %add3A_354 = arith.addf %add3A_341, %abs3A_353 : vector<16xf32>
      %add3A_355 = arith.constant 1 : i32
      %add3A_356 = vector.broadcast %add3A_355 : i32 to vector<16xi32>
      %add3A_357 = arith.addi %and3A_347, %add3A_356 : vector<16xi32>
      %and3A_358 = arith.constant 127 : i32
      %and3A_359 = vector.broadcast %and3A_358 : i32 to vector<16xi32>
      %and3A_360 = arith.andi %add3A_357, %and3A_359 : vector<16xi32>
      %scan3A_361 = arith.constant 4 : i32
      %scan3A_362 = arith.addi %scan3A_310, %scan3A_361 : i32
      %gather3A_363 = tpu.vector_load_idx %arg13[%add3A_226, %and3A_360] : memref<64x128xf32, #tpu.memory_space<vmem>>[vector<16xi32>, vector<16xi32>], vector<16xf32>,
      %gather3A_364 = tpu.vector_load_idx %arg15[%add3A_226, %and3A_360] : memref<64x128xf32, #tpu.memory_space<vmem>>[vector<16xi32>, vector<16xi32>], vector<16xf32>,
      %sub3A_365 = arith.subf %gather3A_363, %gather3A_364 : vector<16xf32>
      %abs3A_366 = math.absf %sub3A_365 : vector<16xf32>
      %add3A_367 = arith.addf %add3A_354, %abs3A_366 : vector<16xf32>
      %add3A_368 = arith.constant 1 : i32
      %add3A_369 = vector.broadcast %add3A_368 : i32 to vector<16xi32>
      %add3A_370 = arith.addi %and3A_360, %add3A_369 : vector<16xi32>
      %and3A_371 = arith.constant 127 : i32
      %and3A_372 = vector.broadcast %and3A_371 : i32 to vector<16xi32>
      %and3A_373 = arith.andi %add3A_370, %and3A_372 : vector<16xi32>
      %scan3A_374 = arith.constant 5 : i32
      %scan3A_375 = arith.addi %scan3A_310, %scan3A_374 : i32
      %gather3A_376 = tpu.vector_load_idx %arg13[%add3A_226, %and3A_373] : memref<64x128xf32, #tpu.memory_space<vmem>>[vector<16xi32>, vector<16xi32>], vector<16xf32>,
      %gather3A_377 = tpu.vector_load_idx %arg15[%add3A_226, %and3A_373] : memref<64x128xf32, #tpu.memory_space<vmem>>[vector<16xi32>, vector<16xi32>], vector<16xf32>,
      %sub3A_378 = arith.subf %gather3A_376, %gather3A_377 : vector<16xf32>
      %abs3A_379 = math.absf %sub3A_378 : vector<16xf32>
      %add3A_380 = arith.addf %add3A_367, %abs3A_379 : vector<16xf32>
      %add3A_381 = arith.constant 1 : i32
      %add3A_382 = vector.broadcast %add3A_381 : i32 to vector<16xi32>
      %add3A_383 = arith.addi %and3A_373, %add3A_382 : vector<16xi32>
      %and3A_384 = arith.constant 127 : i32
      %and3A_385 = vector.broadcast %and3A_384 : i32 to vector<16xi32>
      %and3A_386 = arith.andi %add3A_383, %and3A_385 : vector<16xi32>
      %scan3A_387 = arith.constant 6 : i32
      %scan3A_388 = arith.addi %scan3A_310, %scan3A_387 : i32
      %gather3A_389 = tpu.vector_load_idx %arg13[%add3A_226, %and3A_386] : memref<64x128xf32, #tpu.memory_space<vmem>>[vector<16xi32>, vector<16xi32>], vector<16xf32>,
      %gather3A_390 = tpu.vector_load_idx %arg15[%add3A_226, %and3A_386] : memref<64x128xf32, #tpu.memory_space<vmem>>[vector<16xi32>, vector<16xi32>], vector<16xf32>,
      %sub3A_391 = arith.subf %gather3A_389, %gather3A_390 : vector<16xf32>
      %abs3A_392 = math.absf %sub3A_391 : vector<16xf32>
      %add3A_393 = arith.addf %add3A_380, %abs3A_392 : vector<16xf32>
      %add3A_394 = arith.constant 1 : i32
      %add3A_395 = vector.broadcast %add3A_394 : i32 to vector<16xi32>
      %add3A_396 = arith.addi %and3A_386, %add3A_395 : vector<16xi32>
      %and3A_397 = arith.constant 127 : i32
      %and3A_398 = vector.broadcast %and3A_397 : i32 to vector<16xi32>
      %and3A_399 = arith.andi %add3A_396, %and3A_398 : vector<16xi32>
      %scan3A_400 = arith.constant 7 : i32
      %scan3A_401 = arith.addi %scan3A_310, %scan3A_400 : i32
      %gather3A_402 = tpu.vector_load_idx %arg13[%add3A_226, %and3A_399] : memref<64x128xf32, #tpu.memory_space<vmem>>[vector<16xi32>, vector<16xi32>], vector<16xf32>,
      %gather3A_403 = tpu.vector_load_idx %arg15[%add3A_226, %and3A_399] : memref<64x128xf32, #tpu.memory_space<vmem>>[vector<16xi32>, vector<16xi32>], vector<16xf32>,
      %sub3A_404 = arith.subf %gather3A_402, %gather3A_403 : vector<16xf32>
      %abs3A_405 = math.absf %sub3A_404 : vector<16xf32>
      %add3A_406 = arith.addf %add3A_393, %abs3A_405 : vector<16xf32>
      %add3A_407 = arith.constant 1 : i32
      %add3A_408 = vector.broadcast %add3A_407 : i32 to vector<16xi32>
      %add3A_409 = arith.addi %and3A_399, %add3A_408 : vector<16xi32>
      %and3A_410 = arith.constant 127 : i32
      %and3A_411 = vector.broadcast %and3A_410 : i32 to vector<16xi32>
      %and3A_412 = arith.andi %add3A_409, %and3A_411 : vector<16xi32>
      scf.yield %add3A_406, %and3A_412 : vector<16xf32>, vector<16xi32>
    }
    %scan3A_234 = arith.constant 128 : i32
    %sub3A_235 = arith.constant 1.200000e+01 : f32
    %sub3A_236 = vector.broadcast %sub3A_235 : f32 to vector<16xf32>
    %sub3A_237 = arith.subf %sub3A_236, %scan3A_233#0 : vector<16xf32>
    %swap3A_238 = arith.constant 48 : index
    %swap3A_239 = tpu.vector_load %arg17[%swap3A_238] {strides = array<i32>} : memref<128xf32, #tpu.memory_space<vmem>>, vector<16xf32>,
    tpu.vector_store %arg17[%swap3A_238], %sub3A_237 {strides = array<i32>} : memref<128xf32, #tpu.memory_space<vmem>>, vector<16xf32>,
    %dma_wait3A_240 = arith.constant 0 : i32
    %dma_wait3A_241 = arith.constant 0 : i32
    %dma_wait3A_242 = tpu.memref_slice %arg3[%dma_wait3A_240, %dma_wait3A_241] : memref<100000x128xf32, #tpu.memory_space<hbm>> -> memref<100000x128xf32, #tpu.memory_space<hbm>>
    tpu.wait_indirect_dma semaphore(%arg21 : memref<!tpu.dma_semaphore, #tpu.memory_space<semaphore_mem>>) src(%dma_wait3A_242 : memref<100000x128xf32, #tpu.memory_space<hbm>>) dst(%arg16 : memref<64x128xf32, #tpu.memory_space<vmem>>)
    %dma_wait3A_243 = arith.constant 0 : i32
    %dma_wait3A_244 = arith.constant 0 : i32
    %dma_wait3A_245 = tpu.memref_slice %arg3[%dma_wait3A_243, %dma_wait3A_244] : memref<100000x128xf32, #tpu.memory_space<hbm>> -> memref<100000x128xf32, #tpu.memory_space<hbm>>
    tpu.wait_indirect_dma semaphore(%arg21 : memref<!tpu.dma_semaphore, #tpu.memory_space<semaphore_mem>>) src(%dma_wait3A_245 : memref<100000x128xf32, #tpu.memory_space<hbm>>) dst(%arg14 : memref<64x128xf32, #tpu.memory_space<vmem>>)
    %add3A_246 = arith.constant 0 : i32
    %add3A_247 = vector.broadcast %add3A_246 : i32 to vector<16xi32>
    %add3A_248 = arith.addi %iota3A, %add3A_247 : vector<16xi32>
    %broadcast_in_dim3A_249 = arith.constant 0.000000e+00 : f32
    %broadcast_in_dim3A_250 = vector.broadcast %broadcast_in_dim3A_249 : f32 to vector<16xf32>
    %scan3A_251 = arith.constant 0 : i32
    %scan3A_252 = arith.constant 128 : i32
    %scan3A_253 = arith.addi %scan3A_251, %scan3A_252 : i32
    %scan3A_254 = arith.constant 8 : i32
    %scan3A_255:2 = scf.for %scan3A_310 = %scan3A_251 to %scan3A_253 step %scan3A_254 iter_args(%scan3A_311 = %broadcast_in_dim3A_250, %scan3A_312 = %iota3A) -> (vector<16xf32>, vector<16xi32>)  : i32 {
      %gather3A_313 = tpu.vector_load_idx %arg14[%add3A_248, %scan3A_312] : memref<64x128xf32, #tpu.memory_space<vmem>>[vector<16xi32>, vector<16xi32>], vector<16xf32>,
      %gather3A_314 = tpu.vector_load_idx %arg16[%add3A_248, %scan3A_312] : memref<64x128xf32, #tpu.memory_space<vmem>>[vector<16xi32>, vector<16xi32>], vector<16xf32>,
      %sub3A_315 = arith.subf %gather3A_313, %gather3A_314 : vector<16xf32>
      %abs3A = math.absf %sub3A_315 : vector<16xf32>
      %add3A_316 = arith.addf %scan3A_311, %abs3A : vector<16xf32>
      %add3A_317 = arith.constant 1 : i32
      %add3A_318 = vector.broadcast %add3A_317 : i32 to vector<16xi32>
      %add3A_319 = arith.addi %scan3A_312, %add3A_318 : vector<16xi32>
      %and3A = arith.constant 127 : i32
      %and3A_320 = vector.broadcast %and3A : i32 to vector<16xi32>
      %and3A_321 = arith.andi %add3A_319, %and3A_320 : vector<16xi32>
      %scan3A_322 = arith.constant 1 : i32
      %scan3A_323 = arith.addi %scan3A_310, %scan3A_322 : i32
      %gather3A_324 = tpu.vector_load_idx %arg14[%add3A_248, %and3A_321] : memref<64x128xf32, #tpu.memory_space<vmem>>[vector<16xi32>, vector<16xi32>], vector<16xf32>,
      %gather3A_325 = tpu.vector_load_idx %arg16[%add3A_248, %and3A_321] : memref<64x128xf32, #tpu.memory_space<vmem>>[vector<16xi32>, vector<16xi32>], vector<16xf32>,
      %sub3A_326 = arith.subf %gather3A_324, %gather3A_325 : vector<16xf32>
      %abs3A_327 = math.absf %sub3A_326 : vector<16xf32>
      %add3A_328 = arith.addf %add3A_316, %abs3A_327 : vector<16xf32>
      %add3A_329 = arith.constant 1 : i32
      %add3A_330 = vector.broadcast %add3A_329 : i32 to vector<16xi32>
      %add3A_331 = arith.addi %and3A_321, %add3A_330 : vector<16xi32>
      %and3A_332 = arith.constant 127 : i32
      %and3A_333 = vector.broadcast %and3A_332 : i32 to vector<16xi32>
      %and3A_334 = arith.andi %add3A_331, %and3A_333 : vector<16xi32>
      %scan3A_335 = arith.constant 2 : i32
      %scan3A_336 = arith.addi %scan3A_310, %scan3A_335 : i32
      %gather3A_337 = tpu.vector_load_idx %arg14[%add3A_248, %and3A_334] : memref<64x128xf32, #tpu.memory_space<vmem>>[vector<16xi32>, vector<16xi32>], vector<16xf32>,
      %gather3A_338 = tpu.vector_load_idx %arg16[%add3A_248, %and3A_334] : memref<64x128xf32, #tpu.memory_space<vmem>>[vector<16xi32>, vector<16xi32>], vector<16xf32>,
      %sub3A_339 = arith.subf %gather3A_337, %gather3A_338 : vector<16xf32>
      %abs3A_340 = math.absf %sub3A_339 : vector<16xf32>
      %add3A_341 = arith.addf %add3A_328, %abs3A_340 : vector<16xf32>
      %add3A_342 = arith.constant 1 : i32
      %add3A_343 = vector.broadcast %add3A_342 : i32 to vector<16xi32>
      %add3A_344 = arith.addi %and3A_334, %add3A_343 : vector<16xi32>
      %and3A_345 = arith.constant 127 : i32
      %and3A_346 = vector.broadcast %and3A_345 : i32 to vector<16xi32>
      %and3A_347 = arith.andi %add3A_344, %and3A_346 : vector<16xi32>
      %scan3A_348 = arith.constant 3 : i32
      %scan3A_349 = arith.addi %scan3A_310, %scan3A_348 : i32
      %gather3A_350 = tpu.vector_load_idx %arg14[%add3A_248, %and3A_347] : memref<64x128xf32, #tpu.memory_space<vmem>>[vector<16xi32>, vector<16xi32>], vector<16xf32>,
      %gather3A_351 = tpu.vector_load_idx %arg16[%add3A_248, %and3A_347] : memref<64x128xf32, #tpu.memory_space<vmem>>[vector<16xi32>, vector<16xi32>], vector<16xf32>,
      %sub3A_352 = arith.subf %gather3A_350, %gather3A_351 : vector<16xf32>
      %abs3A_353 = math.absf %sub3A_352 : vector<16xf32>
      %add3A_354 = arith.addf %add3A_341, %abs3A_353 : vector<16xf32>
      %add3A_355 = arith.constant 1 : i32
      %add3A_356 = vector.broadcast %add3A_355 : i32 to vector<16xi32>
      %add3A_357 = arith.addi %and3A_347, %add3A_356 : vector<16xi32>
      %and3A_358 = arith.constant 127 : i32
      %and3A_359 = vector.broadcast %and3A_358 : i32 to vector<16xi32>
      %and3A_360 = arith.andi %add3A_357, %and3A_359 : vector<16xi32>
      %scan3A_361 = arith.constant 4 : i32
      %scan3A_362 = arith.addi %scan3A_310, %scan3A_361 : i32
      %gather3A_363 = tpu.vector_load_idx %arg14[%add3A_248, %and3A_360] : memref<64x128xf32, #tpu.memory_space<vmem>>[vector<16xi32>, vector<16xi32>], vector<16xf32>,
      %gather3A_364 = tpu.vector_load_idx %arg16[%add3A_248, %and3A_360] : memref<64x128xf32, #tpu.memory_space<vmem>>[vector<16xi32>, vector<16xi32>], vector<16xf32>,
      %sub3A_365 = arith.subf %gather3A_363, %gather3A_364 : vector<16xf32>
      %abs3A_366 = math.absf %sub3A_365 : vector<16xf32>
      %add3A_367 = arith.addf %add3A_354, %abs3A_366 : vector<16xf32>
      %add3A_368 = arith.constant 1 : i32
      %add3A_369 = vector.broadcast %add3A_368 : i32 to vector<16xi32>
      %add3A_370 = arith.addi %and3A_360, %add3A_369 : vector<16xi32>
      %and3A_371 = arith.constant 127 : i32
      %and3A_372 = vector.broadcast %and3A_371 : i32 to vector<16xi32>
      %and3A_373 = arith.andi %add3A_370, %and3A_372 : vector<16xi32>
      %scan3A_374 = arith.constant 5 : i32
      %scan3A_375 = arith.addi %scan3A_310, %scan3A_374 : i32
      %gather3A_376 = tpu.vector_load_idx %arg14[%add3A_248, %and3A_373] : memref<64x128xf32, #tpu.memory_space<vmem>>[vector<16xi32>, vector<16xi32>], vector<16xf32>,
      %gather3A_377 = tpu.vector_load_idx %arg16[%add3A_248, %and3A_373] : memref<64x128xf32, #tpu.memory_space<vmem>>[vector<16xi32>, vector<16xi32>], vector<16xf32>,
      %sub3A_378 = arith.subf %gather3A_376, %gather3A_377 : vector<16xf32>
      %abs3A_379 = math.absf %sub3A_378 : vector<16xf32>
      %add3A_380 = arith.addf %add3A_367, %abs3A_379 : vector<16xf32>
      %add3A_381 = arith.constant 1 : i32
      %add3A_382 = vector.broadcast %add3A_381 : i32 to vector<16xi32>
      %add3A_383 = arith.addi %and3A_373, %add3A_382 : vector<16xi32>
      %and3A_384 = arith.constant 127 : i32
      %and3A_385 = vector.broadcast %and3A_384 : i32 to vector<16xi32>
      %and3A_386 = arith.andi %add3A_383, %and3A_385 : vector<16xi32>
      %scan3A_387 = arith.constant 6 : i32
      %scan3A_388 = arith.addi %scan3A_310, %scan3A_387 : i32
      %gather3A_389 = tpu.vector_load_idx %arg14[%add3A_248, %and3A_386] : memref<64x128xf32, #tpu.memory_space<vmem>>[vector<16xi32>, vector<16xi32>], vector<16xf32>,
      %gather3A_390 = tpu.vector_load_idx %arg16[%add3A_248, %and3A_386] : memref<64x128xf32, #tpu.memory_space<vmem>>[vector<16xi32>, vector<16xi32>], vector<16xf32>,
      %sub3A_391 = arith.subf %gather3A_389, %gather3A_390 : vector<16xf32>
      %abs3A_392 = math.absf %sub3A_391 : vector<16xf32>
      %add3A_393 = arith.addf %add3A_380, %abs3A_392 : vector<16xf32>
      %add3A_394 = arith.constant 1 : i32
      %add3A_395 = vector.broadcast %add3A_394 : i32 to vector<16xi32>
      %add3A_396 = arith.addi %and3A_386, %add3A_395 : vector<16xi32>
      %and3A_397 = arith.constant 127 : i32
      %and3A_398 = vector.broadcast %and3A_397 : i32 to vector<16xi32>
      %and3A_399 = arith.andi %add3A_396, %and3A_398 : vector<16xi32>
      %scan3A_400 = arith.constant 7 : i32
      %scan3A_401 = arith.addi %scan3A_310, %scan3A_400 : i32
      %gather3A_402 = tpu.vector_load_idx %arg14[%add3A_248, %and3A_399] : memref<64x128xf32, #tpu.memory_space<vmem>>[vector<16xi32>, vector<16xi32>], vector<16xf32>,
      %gather3A_403 = tpu.vector_load_idx %arg16[%add3A_248, %and3A_399] : memref<64x128xf32, #tpu.memory_space<vmem>>[vector<16xi32>, vector<16xi32>], vector<16xf32>,
      %sub3A_404 = arith.subf %gather3A_402, %gather3A_403 : vector<16xf32>
      %abs3A_405 = math.absf %sub3A_404 : vector<16xf32>
      %add3A_406 = arith.addf %add3A_393, %abs3A_405 : vector<16xf32>
      %add3A_407 = arith.constant 1 : i32
      %add3A_408 = vector.broadcast %add3A_407 : i32 to vector<16xi32>
      %add3A_409 = arith.addi %and3A_399, %add3A_408 : vector<16xi32>
      %and3A_410 = arith.constant 127 : i32
      %and3A_411 = vector.broadcast %and3A_410 : i32 to vector<16xi32>
      %and3A_412 = arith.andi %add3A_409, %and3A_411 : vector<16xi32>
      scf.yield %add3A_406, %and3A_412 : vector<16xf32>, vector<16xi32>
    }
    %scan3A_256 = arith.constant 128 : i32
    %sub3A_257 = arith.constant 1.200000e+01 : f32
    %sub3A_258 = vector.broadcast %sub3A_257 : f32 to vector<16xf32>
    %sub3A_259 = arith.subf %sub3A_258, %scan3A_255#0 : vector<16xf32>
    %swap3A_260 = arith.constant 64 : index
    %swap3A_261 = tpu.vector_load %arg17[%swap3A_260] {strides = array<i32>} : memref<128xf32, #tpu.memory_space<vmem>>, vector<16xf32>,
    tpu.vector_store %arg17[%swap3A_260], %sub3A_259 {strides = array<i32>} : memref<128xf32, #tpu.memory_space<vmem>>, vector<16xf32>,
    %add3A_262 = arith.constant 16 : i32
    %add3A_263 = vector.broadcast %add3A_262 : i32 to vector<16xi32>
    %add3A_264 = arith.addi %iota3A, %add3A_263 : vector<16xi32>
    %broadcast_in_dim3A_265 = arith.constant 0.000000e+00 : f32
    %broadcast_in_dim3A_266 = vector.broadcast %broadcast_in_dim3A_265 : f32 to vector<16xf32>
    %scan3A_267 = arith.constant 0 : i32
    %scan3A_268 = arith.constant 128 : i32
    %scan3A_269 = arith.addi %scan3A_267, %scan3A_268 : i32
    %scan3A_270 = arith.constant 8 : i32
    %scan3A_271:2 = scf.for %scan3A_310 = %scan3A_267 to %scan3A_269 step %scan3A_270 iter_args(%scan3A_311 = %broadcast_in_dim3A_266, %scan3A_312 = %iota3A) -> (vector<16xf32>, vector<16xi32>)  : i32 {
      %gather3A_313 = tpu.vector_load_idx %arg14[%add3A_264, %scan3A_312] : memref<64x128xf32, #tpu.memory_space<vmem>>[vector<16xi32>, vector<16xi32>], vector<16xf32>,
      %gather3A_314 = tpu.vector_load_idx %arg16[%add3A_264, %scan3A_312] : memref<64x128xf32, #tpu.memory_space<vmem>>[vector<16xi32>, vector<16xi32>], vector<16xf32>,
      %sub3A_315 = arith.subf %gather3A_313, %gather3A_314 : vector<16xf32>
      %abs3A = math.absf %sub3A_315 : vector<16xf32>
      %add3A_316 = arith.addf %scan3A_311, %abs3A : vector<16xf32>
      %add3A_317 = arith.constant 1 : i32
      %add3A_318 = vector.broadcast %add3A_317 : i32 to vector<16xi32>
      %add3A_319 = arith.addi %scan3A_312, %add3A_318 : vector<16xi32>
      %and3A = arith.constant 127 : i32
      %and3A_320 = vector.broadcast %and3A : i32 to vector<16xi32>
      %and3A_321 = arith.andi %add3A_319, %and3A_320 : vector<16xi32>
      %scan3A_322 = arith.constant 1 : i32
      %scan3A_323 = arith.addi %scan3A_310, %scan3A_322 : i32
      %gather3A_324 = tpu.vector_load_idx %arg14[%add3A_264, %and3A_321] : memref<64x128xf32, #tpu.memory_space<vmem>>[vector<16xi32>, vector<16xi32>], vector<16xf32>,
      %gather3A_325 = tpu.vector_load_idx %arg16[%add3A_264, %and3A_321] : memref<64x128xf32, #tpu.memory_space<vmem>>[vector<16xi32>, vector<16xi32>], vector<16xf32>,
      %sub3A_326 = arith.subf %gather3A_324, %gather3A_325 : vector<16xf32>
      %abs3A_327 = math.absf %sub3A_326 : vector<16xf32>
      %add3A_328 = arith.addf %add3A_316, %abs3A_327 : vector<16xf32>
      %add3A_329 = arith.constant 1 : i32
      %add3A_330 = vector.broadcast %add3A_329 : i32 to vector<16xi32>
      %add3A_331 = arith.addi %and3A_321, %add3A_330 : vector<16xi32>
      %and3A_332 = arith.constant 127 : i32
      %and3A_333 = vector.broadcast %and3A_332 : i32 to vector<16xi32>
      %and3A_334 = arith.andi %add3A_331, %and3A_333 : vector<16xi32>
      %scan3A_335 = arith.constant 2 : i32
      %scan3A_336 = arith.addi %scan3A_310, %scan3A_335 : i32
      %gather3A_337 = tpu.vector_load_idx %arg14[%add3A_264, %and3A_334] : memref<64x128xf32, #tpu.memory_space<vmem>>[vector<16xi32>, vector<16xi32>], vector<16xf32>,
      %gather3A_338 = tpu.vector_load_idx %arg16[%add3A_264, %and3A_334] : memref<64x128xf32, #tpu.memory_space<vmem>>[vector<16xi32>, vector<16xi32>], vector<16xf32>,
      %sub3A_339 = arith.subf %gather3A_337, %gather3A_338 : vector<16xf32>
      %abs3A_340 = math.absf %sub3A_339 : vector<16xf32>
      %add3A_341 = arith.addf %add3A_328, %abs3A_340 : vector<16xf32>
      %add3A_342 = arith.constant 1 : i32
      %add3A_343 = vector.broadcast %add3A_342 : i32 to vector<16xi32>
      %add3A_344 = arith.addi %and3A_334, %add3A_343 : vector<16xi32>
      %and3A_345 = arith.constant 127 : i32
      %and3A_346 = vector.broadcast %and3A_345 : i32 to vector<16xi32>
      %and3A_347 = arith.andi %add3A_344, %and3A_346 : vector<16xi32>
      %scan3A_348 = arith.constant 3 : i32
      %scan3A_349 = arith.addi %scan3A_310, %scan3A_348 : i32
      %gather3A_350 = tpu.vector_load_idx %arg14[%add3A_264, %and3A_347] : memref<64x128xf32, #tpu.memory_space<vmem>>[vector<16xi32>, vector<16xi32>], vector<16xf32>,
      %gather3A_351 = tpu.vector_load_idx %arg16[%add3A_264, %and3A_347] : memref<64x128xf32, #tpu.memory_space<vmem>>[vector<16xi32>, vector<16xi32>], vector<16xf32>,
      %sub3A_352 = arith.subf %gather3A_350, %gather3A_351 : vector<16xf32>
      %abs3A_353 = math.absf %sub3A_352 : vector<16xf32>
      %add3A_354 = arith.addf %add3A_341, %abs3A_353 : vector<16xf32>
      %add3A_355 = arith.constant 1 : i32
      %add3A_356 = vector.broadcast %add3A_355 : i32 to vector<16xi32>
      %add3A_357 = arith.addi %and3A_347, %add3A_356 : vector<16xi32>
      %and3A_358 = arith.constant 127 : i32
      %and3A_359 = vector.broadcast %and3A_358 : i32 to vector<16xi32>
      %and3A_360 = arith.andi %add3A_357, %and3A_359 : vector<16xi32>
      %scan3A_361 = arith.constant 4 : i32
      %scan3A_362 = arith.addi %scan3A_310, %scan3A_361 : i32
      %gather3A_363 = tpu.vector_load_idx %arg14[%add3A_264, %and3A_360] : memref<64x128xf32, #tpu.memory_space<vmem>>[vector<16xi32>, vector<16xi32>], vector<16xf32>,
      %gather3A_364 = tpu.vector_load_idx %arg16[%add3A_264, %and3A_360] : memref<64x128xf32, #tpu.memory_space<vmem>>[vector<16xi32>, vector<16xi32>], vector<16xf32>,
      %sub3A_365 = arith.subf %gather3A_363, %gather3A_364 : vector<16xf32>
      %abs3A_366 = math.absf %sub3A_365 : vector<16xf32>
      %add3A_367 = arith.addf %add3A_354, %abs3A_366 : vector<16xf32>
      %add3A_368 = arith.constant 1 : i32
      %add3A_369 = vector.broadcast %add3A_368 : i32 to vector<16xi32>
      %add3A_370 = arith.addi %and3A_360, %add3A_369 : vector<16xi32>
      %and3A_371 = arith.constant 127 : i32
      %and3A_372 = vector.broadcast %and3A_371 : i32 to vector<16xi32>
      %and3A_373 = arith.andi %add3A_370, %and3A_372 : vector<16xi32>
      %scan3A_374 = arith.constant 5 : i32
      %scan3A_375 = arith.addi %scan3A_310, %scan3A_374 : i32
      %gather3A_376 = tpu.vector_load_idx %arg14[%add3A_264, %and3A_373] : memref<64x128xf32, #tpu.memory_space<vmem>>[vector<16xi32>, vector<16xi32>], vector<16xf32>,
      %gather3A_377 = tpu.vector_load_idx %arg16[%add3A_264, %and3A_373] : memref<64x128xf32, #tpu.memory_space<vmem>>[vector<16xi32>, vector<16xi32>], vector<16xf32>,
      %sub3A_378 = arith.subf %gather3A_376, %gather3A_377 : vector<16xf32>
      %abs3A_379 = math.absf %sub3A_378 : vector<16xf32>
      %add3A_380 = arith.addf %add3A_367, %abs3A_379 : vector<16xf32>
      %add3A_381 = arith.constant 1 : i32
      %add3A_382 = vector.broadcast %add3A_381 : i32 to vector<16xi32>
      %add3A_383 = arith.addi %and3A_373, %add3A_382 : vector<16xi32>
      %and3A_384 = arith.constant 127 : i32
      %and3A_385 = vector.broadcast %and3A_384 : i32 to vector<16xi32>
      %and3A_386 = arith.andi %add3A_383, %and3A_385 : vector<16xi32>
      %scan3A_387 = arith.constant 6 : i32
      %scan3A_388 = arith.addi %scan3A_310, %scan3A_387 : i32
      %gather3A_389 = tpu.vector_load_idx %arg14[%add3A_264, %and3A_386] : memref<64x128xf32, #tpu.memory_space<vmem>>[vector<16xi32>, vector<16xi32>], vector<16xf32>,
      %gather3A_390 = tpu.vector_load_idx %arg16[%add3A_264, %and3A_386] : memref<64x128xf32, #tpu.memory_space<vmem>>[vector<16xi32>, vector<16xi32>], vector<16xf32>,
      %sub3A_391 = arith.subf %gather3A_389, %gather3A_390 : vector<16xf32>
      %abs3A_392 = math.absf %sub3A_391 : vector<16xf32>
      %add3A_393 = arith.addf %add3A_380, %abs3A_392 : vector<16xf32>
      %add3A_394 = arith.constant 1 : i32
      %add3A_395 = vector.broadcast %add3A_394 : i32 to vector<16xi32>
      %add3A_396 = arith.addi %and3A_386, %add3A_395 : vector<16xi32>
      %and3A_397 = arith.constant 127 : i32
      %and3A_398 = vector.broadcast %and3A_397 : i32 to vector<16xi32>
      %and3A_399 = arith.andi %add3A_396, %and3A_398 : vector<16xi32>
      %scan3A_400 = arith.constant 7 : i32
      %scan3A_401 = arith.addi %scan3A_310, %scan3A_400 : i32
      %gather3A_402 = tpu.vector_load_idx %arg14[%add3A_264, %and3A_399] : memref<64x128xf32, #tpu.memory_space<vmem>>[vector<16xi32>, vector<16xi32>], vector<16xf32>,
      %gather3A_403 = tpu.vector_load_idx %arg16[%add3A_264, %and3A_399] : memref<64x128xf32, #tpu.memory_space<vmem>>[vector<16xi32>, vector<16xi32>], vector<16xf32>,
      %sub3A_404 = arith.subf %gather3A_402, %gather3A_403 : vector<16xf32>
      %abs3A_405 = math.absf %sub3A_404 : vector<16xf32>
      %add3A_406 = arith.addf %add3A_393, %abs3A_405 : vector<16xf32>
      %add3A_407 = arith.constant 1 : i32
      %add3A_408 = vector.broadcast %add3A_407 : i32 to vector<16xi32>
      %add3A_409 = arith.addi %and3A_399, %add3A_408 : vector<16xi32>
      %and3A_410 = arith.constant 127 : i32
      %and3A_411 = vector.broadcast %and3A_410 : i32 to vector<16xi32>
      %and3A_412 = arith.andi %add3A_409, %and3A_411 : vector<16xi32>
      scf.yield %add3A_406, %and3A_412 : vector<16xf32>, vector<16xi32>
    }
    %scan3A_272 = arith.constant 128 : i32
    %sub3A_273 = arith.constant 1.200000e+01 : f32
    %sub3A_274 = vector.broadcast %sub3A_273 : f32 to vector<16xf32>
    %sub3A_275 = arith.subf %sub3A_274, %scan3A_271#0 : vector<16xf32>
    %swap3A_276 = arith.constant 80 : index
    %swap3A_277 = tpu.vector_load %arg17[%swap3A_276] {strides = array<i32>} : memref<128xf32, #tpu.memory_space<vmem>>, vector<16xf32>,
    tpu.vector_store %arg17[%swap3A_276], %sub3A_275 {strides = array<i32>} : memref<128xf32, #tpu.memory_space<vmem>>, vector<16xf32>,
    %add3A_278 = arith.constant 32 : i32
    %add3A_279 = vector.broadcast %add3A_278 : i32 to vector<16xi32>
    %add3A_280 = arith.addi %iota3A, %add3A_279 : vector<16xi32>
    %broadcast_in_dim3A_281 = arith.constant 0.000000e+00 : f32
    %broadcast_in_dim3A_282 = vector.broadcast %broadcast_in_dim3A_281 : f32 to vector<16xf32>
    %scan3A_283 = arith.constant 0 : i32
    %scan3A_284 = arith.constant 128 : i32
    %scan3A_285 = arith.addi %scan3A_283, %scan3A_284 : i32
    %scan3A_286 = arith.constant 8 : i32
    %scan3A_287:2 = scf.for %scan3A_310 = %scan3A_283 to %scan3A_285 step %scan3A_286 iter_args(%scan3A_311 = %broadcast_in_dim3A_282, %scan3A_312 = %iota3A) -> (vector<16xf32>, vector<16xi32>)  : i32 {
      %gather3A_313 = tpu.vector_load_idx %arg14[%add3A_280, %scan3A_312] : memref<64x128xf32, #tpu.memory_space<vmem>>[vector<16xi32>, vector<16xi32>], vector<16xf32>,
      %gather3A_314 = tpu.vector_load_idx %arg16[%add3A_280, %scan3A_312] : memref<64x128xf32, #tpu.memory_space<vmem>>[vector<16xi32>, vector<16xi32>], vector<16xf32>,
      %sub3A_315 = arith.subf %gather3A_313, %gather3A_314 : vector<16xf32>
      %abs3A = math.absf %sub3A_315 : vector<16xf32>
      %add3A_316 = arith.addf %scan3A_311, %abs3A : vector<16xf32>
      %add3A_317 = arith.constant 1 : i32
      %add3A_318 = vector.broadcast %add3A_317 : i32 to vector<16xi32>
      %add3A_319 = arith.addi %scan3A_312, %add3A_318 : vector<16xi32>
      %and3A = arith.constant 127 : i32
      %and3A_320 = vector.broadcast %and3A : i32 to vector<16xi32>
      %and3A_321 = arith.andi %add3A_319, %and3A_320 : vector<16xi32>
      %scan3A_322 = arith.constant 1 : i32
      %scan3A_323 = arith.addi %scan3A_310, %scan3A_322 : i32
      %gather3A_324 = tpu.vector_load_idx %arg14[%add3A_280, %and3A_321] : memref<64x128xf32, #tpu.memory_space<vmem>>[vector<16xi32>, vector<16xi32>], vector<16xf32>,
      %gather3A_325 = tpu.vector_load_idx %arg16[%add3A_280, %and3A_321] : memref<64x128xf32, #tpu.memory_space<vmem>>[vector<16xi32>, vector<16xi32>], vector<16xf32>,
      %sub3A_326 = arith.subf %gather3A_324, %gather3A_325 : vector<16xf32>
      %abs3A_327 = math.absf %sub3A_326 : vector<16xf32>
      %add3A_328 = arith.addf %add3A_316, %abs3A_327 : vector<16xf32>
      %add3A_329 = arith.constant 1 : i32
      %add3A_330 = vector.broadcast %add3A_329 : i32 to vector<16xi32>
      %add3A_331 = arith.addi %and3A_321, %add3A_330 : vector<16xi32>
      %and3A_332 = arith.constant 127 : i32
      %and3A_333 = vector.broadcast %and3A_332 : i32 to vector<16xi32>
      %and3A_334 = arith.andi %add3A_331, %and3A_333 : vector<16xi32>
      %scan3A_335 = arith.constant 2 : i32
      %scan3A_336 = arith.addi %scan3A_310, %scan3A_335 : i32
      %gather3A_337 = tpu.vector_load_idx %arg14[%add3A_280, %and3A_334] : memref<64x128xf32, #tpu.memory_space<vmem>>[vector<16xi32>, vector<16xi32>], vector<16xf32>,
      %gather3A_338 = tpu.vector_load_idx %arg16[%add3A_280, %and3A_334] : memref<64x128xf32, #tpu.memory_space<vmem>>[vector<16xi32>, vector<16xi32>], vector<16xf32>,
      %sub3A_339 = arith.subf %gather3A_337, %gather3A_338 : vector<16xf32>
      %abs3A_340 = math.absf %sub3A_339 : vector<16xf32>
      %add3A_341 = arith.addf %add3A_328, %abs3A_340 : vector<16xf32>
      %add3A_342 = arith.constant 1 : i32
      %add3A_343 = vector.broadcast %add3A_342 : i32 to vector<16xi32>
      %add3A_344 = arith.addi %and3A_334, %add3A_343 : vector<16xi32>
      %and3A_345 = arith.constant 127 : i32
      %and3A_346 = vector.broadcast %and3A_345 : i32 to vector<16xi32>
      %and3A_347 = arith.andi %add3A_344, %and3A_346 : vector<16xi32>
      %scan3A_348 = arith.constant 3 : i32
      %scan3A_349 = arith.addi %scan3A_310, %scan3A_348 : i32
      %gather3A_350 = tpu.vector_load_idx %arg14[%add3A_280, %and3A_347] : memref<64x128xf32, #tpu.memory_space<vmem>>[vector<16xi32>, vector<16xi32>], vector<16xf32>,
      %gather3A_351 = tpu.vector_load_idx %arg16[%add3A_280, %and3A_347] : memref<64x128xf32, #tpu.memory_space<vmem>>[vector<16xi32>, vector<16xi32>], vector<16xf32>,
      %sub3A_352 = arith.subf %gather3A_350, %gather3A_351 : vector<16xf32>
      %abs3A_353 = math.absf %sub3A_352 : vector<16xf32>
      %add3A_354 = arith.addf %add3A_341, %abs3A_353 : vector<16xf32>
      %add3A_355 = arith.constant 1 : i32
      %add3A_356 = vector.broadcast %add3A_355 : i32 to vector<16xi32>
      %add3A_357 = arith.addi %and3A_347, %add3A_356 : vector<16xi32>
      %and3A_358 = arith.constant 127 : i32
      %and3A_359 = vector.broadcast %and3A_358 : i32 to vector<16xi32>
      %and3A_360 = arith.andi %add3A_357, %and3A_359 : vector<16xi32>
      %scan3A_361 = arith.constant 4 : i32
      %scan3A_362 = arith.addi %scan3A_310, %scan3A_361 : i32
      %gather3A_363 = tpu.vector_load_idx %arg14[%add3A_280, %and3A_360] : memref<64x128xf32, #tpu.memory_space<vmem>>[vector<16xi32>, vector<16xi32>], vector<16xf32>,
      %gather3A_364 = tpu.vector_load_idx %arg16[%add3A_280, %and3A_360] : memref<64x128xf32, #tpu.memory_space<vmem>>[vector<16xi32>, vector<16xi32>], vector<16xf32>,
      %sub3A_365 = arith.subf %gather3A_363, %gather3A_364 : vector<16xf32>
      %abs3A_366 = math.absf %sub3A_365 : vector<16xf32>
      %add3A_367 = arith.addf %add3A_354, %abs3A_366 : vector<16xf32>
      %add3A_368 = arith.constant 1 : i32
      %add3A_369 = vector.broadcast %add3A_368 : i32 to vector<16xi32>
      %add3A_370 = arith.addi %and3A_360, %add3A_369 : vector<16xi32>
      %and3A_371 = arith.constant 127 : i32
      %and3A_372 = vector.broadcast %and3A_371 : i32 to vector<16xi32>
      %and3A_373 = arith.andi %add3A_370, %and3A_372 : vector<16xi32>
      %scan3A_374 = arith.constant 5 : i32
      %scan3A_375 = arith.addi %scan3A_310, %scan3A_374 : i32
      %gather3A_376 = tpu.vector_load_idx %arg14[%add3A_280, %and3A_373] : memref<64x128xf32, #tpu.memory_space<vmem>>[vector<16xi32>, vector<16xi32>], vector<16xf32>,
      %gather3A_377 = tpu.vector_load_idx %arg16[%add3A_280, %and3A_373] : memref<64x128xf32, #tpu.memory_space<vmem>>[vector<16xi32>, vector<16xi32>], vector<16xf32>,
      %sub3A_378 = arith.subf %gather3A_376, %gather3A_377 : vector<16xf32>
      %abs3A_379 = math.absf %sub3A_378 : vector<16xf32>
      %add3A_380 = arith.addf %add3A_367, %abs3A_379 : vector<16xf32>
      %add3A_381 = arith.constant 1 : i32
      %add3A_382 = vector.broadcast %add3A_381 : i32 to vector<16xi32>
      %add3A_383 = arith.addi %and3A_373, %add3A_382 : vector<16xi32>
      %and3A_384 = arith.constant 127 : i32
      %and3A_385 = vector.broadcast %and3A_384 : i32 to vector<16xi32>
      %and3A_386 = arith.andi %add3A_383, %and3A_385 : vector<16xi32>
      %scan3A_387 = arith.constant 6 : i32
      %scan3A_388 = arith.addi %scan3A_310, %scan3A_387 : i32
      %gather3A_389 = tpu.vector_load_idx %arg14[%add3A_280, %and3A_386] : memref<64x128xf32, #tpu.memory_space<vmem>>[vector<16xi32>, vector<16xi32>], vector<16xf32>,
      %gather3A_390 = tpu.vector_load_idx %arg16[%add3A_280, %and3A_386] : memref<64x128xf32, #tpu.memory_space<vmem>>[vector<16xi32>, vector<16xi32>], vector<16xf32>,
      %sub3A_391 = arith.subf %gather3A_389, %gather3A_390 : vector<16xf32>
      %abs3A_392 = math.absf %sub3A_391 : vector<16xf32>
      %add3A_393 = arith.addf %add3A_380, %abs3A_392 : vector<16xf32>
      %add3A_394 = arith.constant 1 : i32
      %add3A_395 = vector.broadcast %add3A_394 : i32 to vector<16xi32>
      %add3A_396 = arith.addi %and3A_386, %add3A_395 : vector<16xi32>
      %and3A_397 = arith.constant 127 : i32
      %and3A_398 = vector.broadcast %and3A_397 : i32 to vector<16xi32>
      %and3A_399 = arith.andi %add3A_396, %and3A_398 : vector<16xi32>
      %scan3A_400 = arith.constant 7 : i32
      %scan3A_401 = arith.addi %scan3A_310, %scan3A_400 : i32
      %gather3A_402 = tpu.vector_load_idx %arg14[%add3A_280, %and3A_399] : memref<64x128xf32, #tpu.memory_space<vmem>>[vector<16xi32>, vector<16xi32>], vector<16xf32>,
      %gather3A_403 = tpu.vector_load_idx %arg16[%add3A_280, %and3A_399] : memref<64x128xf32, #tpu.memory_space<vmem>>[vector<16xi32>, vector<16xi32>], vector<16xf32>,
      %sub3A_404 = arith.subf %gather3A_402, %gather3A_403 : vector<16xf32>
      %abs3A_405 = math.absf %sub3A_404 : vector<16xf32>
      %add3A_406 = arith.addf %add3A_393, %abs3A_405 : vector<16xf32>
      %add3A_407 = arith.constant 1 : i32
      %add3A_408 = vector.broadcast %add3A_407 : i32 to vector<16xi32>
      %add3A_409 = arith.addi %and3A_399, %add3A_408 : vector<16xi32>
      %and3A_410 = arith.constant 127 : i32
      %and3A_411 = vector.broadcast %and3A_410 : i32 to vector<16xi32>
      %and3A_412 = arith.andi %add3A_409, %and3A_411 : vector<16xi32>
      scf.yield %add3A_406, %and3A_412 : vector<16xf32>, vector<16xi32>
    }
    %scan3A_288 = arith.constant 128 : i32
    %sub3A_289 = arith.constant 1.200000e+01 : f32
    %sub3A_290 = vector.broadcast %sub3A_289 : f32 to vector<16xf32>
    %sub3A_291 = arith.subf %sub3A_290, %scan3A_287#0 : vector<16xf32>
    %swap3A_292 = arith.constant 96 : index
    %swap3A_293 = tpu.vector_load %arg17[%swap3A_292] {strides = array<i32>} : memref<128xf32, #tpu.memory_space<vmem>>, vector<16xf32>,
    tpu.vector_store %arg17[%swap3A_292], %sub3A_291 {strides = array<i32>} : memref<128xf32, #tpu.memory_space<vmem>>, vector<16xf32>,
    %add3A_294 = arith.constant 48 : i32
    %add3A_295 = vector.broadcast %add3A_294 : i32 to vector<16xi32>
    %add3A_296 = arith.addi %iota3A, %add3A_295 : vector<16xi32>
    %broadcast_in_dim3A_297 = arith.constant 0.000000e+00 : f32
    %broadcast_in_dim3A_298 = vector.broadcast %broadcast_in_dim3A_297 : f32 to vector<16xf32>
    %scan3A_299 = arith.constant 0 : i32
    %scan3A_300 = arith.constant 128 : i32
    %scan3A_301 = arith.addi %scan3A_299, %scan3A_300 : i32
    %scan3A_302 = arith.constant 8 : i32
    %scan3A_303:2 = scf.for %scan3A_310 = %scan3A_299 to %scan3A_301 step %scan3A_302 iter_args(%scan3A_311 = %broadcast_in_dim3A_298, %scan3A_312 = %iota3A) -> (vector<16xf32>, vector<16xi32>)  : i32 {
      %gather3A_313 = tpu.vector_load_idx %arg14[%add3A_296, %scan3A_312] : memref<64x128xf32, #tpu.memory_space<vmem>>[vector<16xi32>, vector<16xi32>], vector<16xf32>,
      %gather3A_314 = tpu.vector_load_idx %arg16[%add3A_296, %scan3A_312] : memref<64x128xf32, #tpu.memory_space<vmem>>[vector<16xi32>, vector<16xi32>], vector<16xf32>,
      %sub3A_315 = arith.subf %gather3A_313, %gather3A_314 : vector<16xf32>
      %abs3A = math.absf %sub3A_315 : vector<16xf32>
      %add3A_316 = arith.addf %scan3A_311, %abs3A : vector<16xf32>
      %add3A_317 = arith.constant 1 : i32
      %add3A_318 = vector.broadcast %add3A_317 : i32 to vector<16xi32>
      %add3A_319 = arith.addi %scan3A_312, %add3A_318 : vector<16xi32>
      %and3A = arith.constant 127 : i32
      %and3A_320 = vector.broadcast %and3A : i32 to vector<16xi32>
      %and3A_321 = arith.andi %add3A_319, %and3A_320 : vector<16xi32>
      %scan3A_322 = arith.constant 1 : i32
      %scan3A_323 = arith.addi %scan3A_310, %scan3A_322 : i32
      %gather3A_324 = tpu.vector_load_idx %arg14[%add3A_296, %and3A_321] : memref<64x128xf32, #tpu.memory_space<vmem>>[vector<16xi32>, vector<16xi32>], vector<16xf32>,
      %gather3A_325 = tpu.vector_load_idx %arg16[%add3A_296, %and3A_321] : memref<64x128xf32, #tpu.memory_space<vmem>>[vector<16xi32>, vector<16xi32>], vector<16xf32>,
      %sub3A_326 = arith.subf %gather3A_324, %gather3A_325 : vector<16xf32>
      %abs3A_327 = math.absf %sub3A_326 : vector<16xf32>
      %add3A_328 = arith.addf %add3A_316, %abs3A_327 : vector<16xf32>
      %add3A_329 = arith.constant 1 : i32
      %add3A_330 = vector.broadcast %add3A_329 : i32 to vector<16xi32>
      %add3A_331 = arith.addi %and3A_321, %add3A_330 : vector<16xi32>
      %and3A_332 = arith.constant 127 : i32
      %and3A_333 = vector.broadcast %and3A_332 : i32 to vector<16xi32>
      %and3A_334 = arith.andi %add3A_331, %and3A_333 : vector<16xi32>
      %scan3A_335 = arith.constant 2 : i32
      %scan3A_336 = arith.addi %scan3A_310, %scan3A_335 : i32
      %gather3A_337 = tpu.vector_load_idx %arg14[%add3A_296, %and3A_334] : memref<64x128xf32, #tpu.memory_space<vmem>>[vector<16xi32>, vector<16xi32>], vector<16xf32>,
      %gather3A_338 = tpu.vector_load_idx %arg16[%add3A_296, %and3A_334] : memref<64x128xf32, #tpu.memory_space<vmem>>[vector<16xi32>, vector<16xi32>], vector<16xf32>,
      %sub3A_339 = arith.subf %gather3A_337, %gather3A_338 : vector<16xf32>
      %abs3A_340 = math.absf %sub3A_339 : vector<16xf32>
      %add3A_341 = arith.addf %add3A_328, %abs3A_340 : vector<16xf32>
      %add3A_342 = arith.constant 1 : i32
      %add3A_343 = vector.broadcast %add3A_342 : i32 to vector<16xi32>
      %add3A_344 = arith.addi %and3A_334, %add3A_343 : vector<16xi32>
      %and3A_345 = arith.constant 127 : i32
      %and3A_346 = vector.broadcast %and3A_345 : i32 to vector<16xi32>
      %and3A_347 = arith.andi %add3A_344, %and3A_346 : vector<16xi32>
      %scan3A_348 = arith.constant 3 : i32
      %scan3A_349 = arith.addi %scan3A_310, %scan3A_348 : i32
      %gather3A_350 = tpu.vector_load_idx %arg14[%add3A_296, %and3A_347] : memref<64x128xf32, #tpu.memory_space<vmem>>[vector<16xi32>, vector<16xi32>], vector<16xf32>,
      %gather3A_351 = tpu.vector_load_idx %arg16[%add3A_296, %and3A_347] : memref<64x128xf32, #tpu.memory_space<vmem>>[vector<16xi32>, vector<16xi32>], vector<16xf32>,
      %sub3A_352 = arith.subf %gather3A_350, %gather3A_351 : vector<16xf32>
      %abs3A_353 = math.absf %sub3A_352 : vector<16xf32>
      %add3A_354 = arith.addf %add3A_341, %abs3A_353 : vector<16xf32>
      %add3A_355 = arith.constant 1 : i32
      %add3A_356 = vector.broadcast %add3A_355 : i32 to vector<16xi32>
      %add3A_357 = arith.addi %and3A_347, %add3A_356 : vector<16xi32>
      %and3A_358 = arith.constant 127 : i32
      %and3A_359 = vector.broadcast %and3A_358 : i32 to vector<16xi32>
      %and3A_360 = arith.andi %add3A_357, %and3A_359 : vector<16xi32>
      %scan3A_361 = arith.constant 4 : i32
      %scan3A_362 = arith.addi %scan3A_310, %scan3A_361 : i32
      %gather3A_363 = tpu.vector_load_idx %arg14[%add3A_296, %and3A_360] : memref<64x128xf32, #tpu.memory_space<vmem>>[vector<16xi32>, vector<16xi32>], vector<16xf32>,
      %gather3A_364 = tpu.vector_load_idx %arg16[%add3A_296, %and3A_360] : memref<64x128xf32, #tpu.memory_space<vmem>>[vector<16xi32>, vector<16xi32>], vector<16xf32>,
      %sub3A_365 = arith.subf %gather3A_363, %gather3A_364 : vector<16xf32>
      %abs3A_366 = math.absf %sub3A_365 : vector<16xf32>
      %add3A_367 = arith.addf %add3A_354, %abs3A_366 : vector<16xf32>
      %add3A_368 = arith.constant 1 : i32
      %add3A_369 = vector.broadcast %add3A_368 : i32 to vector<16xi32>
      %add3A_370 = arith.addi %and3A_360, %add3A_369 : vector<16xi32>
      %and3A_371 = arith.constant 127 : i32
      %and3A_372 = vector.broadcast %and3A_371 : i32 to vector<16xi32>
      %and3A_373 = arith.andi %add3A_370, %and3A_372 : vector<16xi32>
      %scan3A_374 = arith.constant 5 : i32
      %scan3A_375 = arith.addi %scan3A_310, %scan3A_374 : i32
      %gather3A_376 = tpu.vector_load_idx %arg14[%add3A_296, %and3A_373] : memref<64x128xf32, #tpu.memory_space<vmem>>[vector<16xi32>, vector<16xi32>], vector<16xf32>,
      %gather3A_377 = tpu.vector_load_idx %arg16[%add3A_296, %and3A_373] : memref<64x128xf32, #tpu.memory_space<vmem>>[vector<16xi32>, vector<16xi32>], vector<16xf32>,
      %sub3A_378 = arith.subf %gather3A_376, %gather3A_377 : vector<16xf32>
      %abs3A_379 = math.absf %sub3A_378 : vector<16xf32>
      %add3A_380 = arith.addf %add3A_367, %abs3A_379 : vector<16xf32>
      %add3A_381 = arith.constant 1 : i32
      %add3A_382 = vector.broadcast %add3A_381 : i32 to vector<16xi32>
      %add3A_383 = arith.addi %and3A_373, %add3A_382 : vector<16xi32>
      %and3A_384 = arith.constant 127 : i32
      %and3A_385 = vector.broadcast %and3A_384 : i32 to vector<16xi32>
      %and3A_386 = arith.andi %add3A_383, %and3A_385 : vector<16xi32>
      %scan3A_387 = arith.constant 6 : i32
      %scan3A_388 = arith.addi %scan3A_310, %scan3A_387 : i32
      %gather3A_389 = tpu.vector_load_idx %arg14[%add3A_296, %and3A_386] : memref<64x128xf32, #tpu.memory_space<vmem>>[vector<16xi32>, vector<16xi32>], vector<16xf32>,
      %gather3A_390 = tpu.vector_load_idx %arg16[%add3A_296, %and3A_386] : memref<64x128xf32, #tpu.memory_space<vmem>>[vector<16xi32>, vector<16xi32>], vector<16xf32>,
      %sub3A_391 = arith.subf %gather3A_389, %gather3A_390 : vector<16xf32>
      %abs3A_392 = math.absf %sub3A_391 : vector<16xf32>
      %add3A_393 = arith.addf %add3A_380, %abs3A_392 : vector<16xf32>
      %add3A_394 = arith.constant 1 : i32
      %add3A_395 = vector.broadcast %add3A_394 : i32 to vector<16xi32>
      %add3A_396 = arith.addi %and3A_386, %add3A_395 : vector<16xi32>
      %and3A_397 = arith.constant 127 : i32
      %and3A_398 = vector.broadcast %and3A_397 : i32 to vector<16xi32>
      %and3A_399 = arith.andi %add3A_396, %and3A_398 : vector<16xi32>
      %scan3A_400 = arith.constant 7 : i32
      %scan3A_401 = arith.addi %scan3A_310, %scan3A_400 : i32
      %gather3A_402 = tpu.vector_load_idx %arg14[%add3A_296, %and3A_399] : memref<64x128xf32, #tpu.memory_space<vmem>>[vector<16xi32>, vector<16xi32>], vector<16xf32>,
      %gather3A_403 = tpu.vector_load_idx %arg16[%add3A_296, %and3A_399] : memref<64x128xf32, #tpu.memory_space<vmem>>[vector<16xi32>, vector<16xi32>], vector<16xf32>,
      %sub3A_404 = arith.subf %gather3A_402, %gather3A_403 : vector<16xf32>
      %abs3A_405 = math.absf %sub3A_404 : vector<16xf32>
      %add3A_406 = arith.addf %add3A_393, %abs3A_405 : vector<16xf32>
      %add3A_407 = arith.constant 1 : i32
      %add3A_408 = vector.broadcast %add3A_407 : i32 to vector<16xi32>
      %add3A_409 = arith.addi %and3A_399, %add3A_408 : vector<16xi32>
      %and3A_410 = arith.constant 127 : i32
      %and3A_411 = vector.broadcast %and3A_410 : i32 to vector<16xi32>
      %and3A_412 = arith.andi %add3A_409, %and3A_411 : vector<16xi32>
      scf.yield %add3A_406, %and3A_412 : vector<16xf32>, vector<16xi32>
    }
    %scan3A_304 = arith.constant 128 : i32
    %sub3A_305 = arith.constant 1.200000e+01 : f32
    %sub3A_306 = vector.broadcast %sub3A_305 : f32 to vector<16xf32>
    %sub3A_307 = arith.subf %sub3A_306, %scan3A_303#0 : vector<16xf32>
    %swap3A_308 = arith.constant 112 : index
    %swap3A_309 = tpu.vector_load %arg17[%swap3A_308] {strides = array<i32>} : memref<128xf32, #tpu.memory_space<vmem>>, vector<16xf32>,
    tpu.vector_store %arg17[%swap3A_308], %sub3A_307 {strides = array<i32>} : memref<128xf32, #tpu.memory_space<vmem>>, vector<16xf32>,
    "tpu.region"() ({
      %run_scoped3A = tpu.sem_alloc : memref<!tpu.dma_semaphore, #tpu.memory_space<semaphore_mem>>
      %dma_start3A_310 = tpu.memref_slice %arg5[%mul3A_2] : memref<4096xf32, #tpu.memory_space<hbm>> -> memref<128xf32, #tpu.memory_space<hbm>>
      %dma_start3A_311 = tpu.memref_slice %arg5[%mul3A_2] : memref<4096xf32, #tpu.memory_space<hbm>> -> memref<128xf32, #tpu.memory_space<hbm>>
      tpu.enqueue_dma source(%arg17 : memref<128xf32, #tpu.memory_space<vmem>>) target(%dma_start3A_311 : memref<128xf32, #tpu.memory_space<hbm>>) target_semaphore(%run_scoped3A : memref<!tpu.dma_semaphore, #tpu.memory_space<semaphore_mem>>)
      %dma_wait3A_312 = tpu.memref_slice %arg5[%mul3A_2] : memref<4096xf32, #tpu.memory_space<hbm>> -> memref<128xf32, #tpu.memory_space<hbm>>
      %dma_wait3A_313 = tpu.memref_slice %arg5[%mul3A_2] : memref<4096xf32, #tpu.memory_space<hbm>> -> memref<128xf32, #tpu.memory_space<hbm>>
      tpu.wait_dma2 semaphore(%run_scoped3A : memref<!tpu.dma_semaphore, #tpu.memory_space<semaphore_mem>>) src(%arg17 : memref<128xf32, #tpu.memory_space<vmem>>) dst(%dma_wait3A_313 : memref<128xf32, #tpu.memory_space<hbm>>)
      tpu.yield
    }) : () -> ()
    return
  }
}

</mosaic_0001>

<sc_bundles>
// kernel: kernel.3.cloned.1.call-start
scs
__scs_entry_jumppad:
0x0: {  	(pc) =	sbr.rel $0x88, $3  }
0x1: {  	(tag) =	ssettag $0x0;
	lr =	simm.s32 $0x1  }
0x2: {  	[smem:$0x3F9E] =	sst lr;
	_ =	strace $0xD0000000  }
0x3: {  	_ = 	snop  }
0x4: {  	_ = 	snop  }
0x5: {  	_ = 	snop  }
0x6: {  	_ = 	snop  }
0x7: {  	_ = 	snop  }
__scs_overlays_trampoline_lowered:
0x8: {  	[smem:$0x3FAD] =	sst s0  }
0x9: {  	[smem:$0x3FAE] =	sst s1  }
0xa: {  	[smem:$0x3FAF] =	sst s2  }
0xb: {  	[smem:$0x3FB0] =	sst s3  }
0xc: {  	[smem:$0x3FB1] =	sst s4  }
0xd: {  	[smem:$0x3FB2] =	sst s5  }
0xe: {  	[smem:$0x3FB3] =	sst s6  }
0xf: {  	[smem:$0x3FB4] =	sst s7  }
0x10: {  	[smem:$0x3FB5] =	sst s8  }
0x11: {  	[smem:$0x3FB6] =	sst s9;
	s0 =	simm.s32 @!p0 $0x0  }
0x12: {  	s1 =	sld [smem:$0x3F9C];
	s0 =	simm.s32 @p0 $0x1  }
0x13: {  	[smem:$0x3FB7] =	sst s0;
	s0 =	simm.s32 @!p1 $0x0  }
0x14: {  	s2 =	sld [smem:$0x3F9B];
	s0 =	simm.s32 @p1 $0x1  }
0x15: {  	[smem:$0x3FB8] =	sst s0;
	s0 =	simm.s32 @!p2 $0x0  }
0x16: {  	s3 =	sld [smem:$0x3FDB];
	s0 =	simm.s32 @p2 $0x1  }
0x17: {  	s4 =	simm.s32 $0x1BF5;
	[smem:$0x3FBA] =	sst s0  }
0x18: {  	s0 =	sld [smem:$0x3F9D];
	_ =	swait.ge [sflag:s4], $0x0  }
0x19: {  	s7 =	sld [smem:$0x3F9E]  }
0x1a: {  	s8 =	sadd.s32 $0xFFFFE003, lr  }
0x1b: {  	s9 =	sadd.s32 $0xFFFFFEF7, lr;
	s5 =	simm.s32 $0xFFFFFFFF;
	p2 =	slt.u32 s8, $0xFFFFF086  }
0x1c: {  	p1 =	slt.u32 s9, $0xF7A;
	s5 =	simm.s32 @!p2 $0x0  }
0x1d: {  	s5 =	simm.s32 @p1 $0x1;
	p0 =	seq.s32 s7, s2  }
0x1e: {  	s7 =	smul.u32 @!p0 $0xF7A, s2;
	p2 =	seq.s32 @!p0 s5, $0x0  }
0x1f: {  	s9 =	smul.u32 $0xF7A, s1;
	s8 =	simm.s32 @!p0 $0x1BF5;
	p2 =	por !p2, p0  }
0x20: {  	[sflag:s8] =	ssyncset.s32 @!p0 $0xFFFFF086;
	s6 =	sadd.s32 @!p0 s3, s7;
	s7 =	simm.s32 @!p0 $0x108  }
0x21: {  	s3 =	sadd.s32 s3, s9;
	s6 =	sadd.s32 @!p0 $0x88, s6;
	s7 =	simm.s32 @p2 $0x1082  }
0x22: {  	[simem:s7], [sflag:s8] =	dma.local @!p0 [hbm:s6], $0xF7A  }
0x23: {  	s9 =	sor.u32 $0xD0000000, s2;
	s6 =	simm.s32 $0x108;
	_ =	swait.ge @!p0 [sflag:s8], $0x0  }
0x24: {  	s3 =	sadd.s32 $0x88, s3;
	s6 =	simm.s32 @!p1 $0x1082;
	[sflag:s4] =	ssyncset.s32 $0xFFFFF086  }
0x25: {  	[simem:s6], [sflag:s4] =	dma.local [hbm:s3], $0xF7A  }
0x26: {  	[smem:$0x3F9E] =	sst s1;
	(tag) =	ssettag s2;
	_ =	strace s9  }
0x27: {  	s1 =	sld [smem:$0x3FAE]  }
0x28: {  	s2 =	sld [smem:$0x3FAF]  }
0x29: {  	s4 =	sld [smem:$0x3FB1]  }
0x2a: {  	p0 =	seq.s32 s5, $0x0;
	s5 =	sld [smem:$0x3FB2]  }
0x2b: {  	s6 =	sld [smem:$0x3FB3]  }
0x2c: {  	s7 =	sld [smem:$0x3FB4]  }
0x2d: {  	s3 =	simm.s32 $0x108;
	s8 =	sld [smem:$0x3FB5]  }
0x2e: {  	s3 =	simm.s32 @!p0 $0x1082;
	s9 =	sld [smem:$0x3FB6]  }
0x2f: {  	lr =	sadd.s32 s0, s3;
	s0 =	sld [smem:$0x3FAD]  }
0x30: {  	s3 =	sld [smem:$0x3FB0]  }
0x31: {  	[smem:$0x3FB9] =	sst s10  }
0x32: {  	s10 =	sld [smem:$0x3FB7];
	_ =	sdelay $0x3  }
0x33: {  	p0 =	seq.s32 s10, $0x1;
	s10 =	sld [smem:$0x3FB9];
	_ =	sdelay $0x3  }
0x34: {  	[smem:$0x3FB9] =	sst s10  }
0x35: {  	s10 =	sld [smem:$0x3FB8];
	_ =	sdelay $0x3  }
0x36: {  	p1 =	seq.s32 s10, $0x1;
	s10 =	sld [smem:$0x3FB9];
	_ =	sdelay $0x3  }
0x37: {  	[smem:$0x3FB9] =	sst s10  }
0x38: {  	s10 =	sld [smem:$0x3FBA]  }
0x39: {  	_ = 	snop;
	(pc) =	sbr.ind lr, $3  }
0x3a: {  	_ = 	snop  }
0x3b: {  	_ = 	snop  }
0x3c: {  	p2 =	seq.s32 s10, $0x1;
	s10 =	sld [smem:$0x3FB9]  }
0x3d: {  	_ =	shalt  }
0x3e: {  	_ =	shalt  }
0x3f: {  	_ =	shalt  }
0x40: {  	_ =	shalt  }
0x41: {  	_ =	shalt  }
0x42: {  	_ =	shalt  }
0x43: {  	_ =	shalt  }
0x44: {  	_ =	shalt  }
0x45: {  	_ =	shalt  }
0x46: {  	_ =	shalt  }
0x47: {  	_ =	shalt  }
0x48: {  	_ =	shalt  }
0x49: {  	_ =	shalt  }
0x4a: {  	_ =	shalt  }
0x4b: {  	_ =	shalt  }
0x4c: {  	_ =	shalt  }
0x4d: {  	_ =	shalt  }
0x4e: {  	_ =	shalt  }
0x4f: {  	_ =	shalt  }
0x50: {  	_ =	shalt  }
0x51: {  	_ =	shalt  }
0x52: {  	_ =	shalt  }
0x53: {  	_ =	shalt  }
0x54: {  	_ =	shalt  }
0x55: {  	_ =	shalt  }
0x56: {  	_ =	shalt  }
0x57: {  	_ =	shalt  }
0x58: {  	_ =	shalt  }
0x59: {  	_ =	shalt  }
0x5a: {  	_ =	shalt  }
0x5b: {  	_ =	shalt  }
0x5c: {  	_ =	shalt  }
0x5d: {  	_ =	shalt  }
0x5e: {  	_ =	shalt  }
0x5f: {  	_ =	shalt  }
0x60: {  	_ =	shalt  }
0x61: {  	_ =	shalt  }
0x62: {  	_ =	shalt  }
0x63: {  	_ =	shalt  }
0x64: {  	_ =	shalt  }
0x65: {  	_ =	shalt  }
0x66: {  	_ =	shalt  }
0x67: {  	_ =	shalt  }
0x68: {  	_ =	shalt  }
0x69: {  	_ =	shalt  }
0x6a: {  	_ =	shalt  }
0x6b: {  	_ =	shalt  }
0x6c: {  	_ =	shalt  }
0x6d: {  	_ =	shalt  }
0x6e: {  	_ =	shalt  }
0x6f: {  	_ =	shalt  }
0x70: {  	_ =	shalt  }
0x71: {  	_ =	shalt  }
0x72: {  	_ =	shalt  }
0x73: {  	_ =	shalt  }
0x74: {  	_ =	shalt  }
0x75: {  	_ =	shalt  }
0x76: {  	_ =	shalt  }
0x77: {  	_ =	shalt  }
0x78: {  	_ =	shalt  }
0x79: {  	_ =	shalt  }
0x7a: {  	_ =	shalt  }
0x7b: {  	_ =	shalt  }
0x7c: {  	_ =	shalt  }
0x7d: {  	_ =	shalt  }
0x7e: {  	_ =	shalt  }
0x7f: {  	_ =	shalt  }
0x80: {  	_ =	shalt  }
0x81: {  	_ =	shalt  }
0x82: {  	_ =	shalt  }
0x83: {  	_ =	shalt  }
0x84: {  	_ =	shalt  }
0x85: {  	_ =	shalt  }
0x86: {  	_ =	shalt  }
0x87: {  	_ =	shalt  }
.Lfunc_end0:
.L_simem_size_0:
called_computation_lowered:
.L_overlay_start_0:
0x88: {  	s2 =	sld [smem:$0x3FD9]  }
0x89: {  	s3 =	sld [smem:$0x3FFE];
	_ =	sdelay $0x1  }
0x8a: {  	s1 =	srdreg.scid  }
0x8b: {  	s0 =	sand.u32 $0x1, s1  }
0x8c: {  	s17 =	sshll.u32 s0, $0xA;
	s2 =	sadd.s32 s3, s2  }
0x8d: {  	s2 =	sadd.s32 s2, s17  }
0x8e: {  	[smem:$0x3FC5] =	sst s2  }
0x8f: {  	_ = 	snop  }
0x90: {  	s2 =	sld [smem:$0x3FC8]  }
0x91: {  	s18 =	sld [smem:$0x3FC7]  }
0x92: {  	s4 =	sld [smem:$0x3FD0];
	(tm) =	ssettm $0x1  }
0x93: {  	s5 =	sld [smem:$0x3FFB];
	_ =	sdelay $0x3  }
0x94: {  	_ =	strace s5  }
0x95: {  	s5 =	sld [smem:$0x3FFC];
	_ =	sdelay $0x3  }
0x96: {  	_ =	strace s5  }
0x97: {  	s5 =	sld [smem:$0x3FFD];
	_ =	sdelay $0x3  }
0x98: {  	_ =	strace s5  }
0x99: {  	_ =	strace $0x8FFFFFFF  }
0x9a: {  	s19 =	sld [smem:$0x3FDB];
	_ =	sdelay $0x1  }
0x9b: {  	s6 =	simm.s32 $_scs_section_size  }
0x9c: {  	s7 =	simm.s32 $_size__tile_overlayer_lowered;
	s8 =	simm.s32 $_tile_overlayer_lowered  }
0x9d: {  	s22 =	simm.s32 $0x1BFF;
	s21 =	sshll.u32 s8, $0x1;
	s5 =	sadd.s32 s6, s19  }
0x9e: {  	s9 =	simm.s32 $0x0;
	s20 =	sshll.u32 s7, $0x1;
	s7 =	sadd.s32 s21, s5  }
0x9f: {  	[timem:s9], [sflag:s22] =	dma.local [hbm:s7], s20  }
0xa0: {  	_ =	swait.ge [sflag:s22], s20  }
0xa1: {  	s6 =	ssub.s32 $0x0, s20;
	[sflag:s22] =	ssyncset.done $0x0  }
0xa2: {  	[sflag:s22] =	ssyncadd.s32 s6;
	_ =	sdelay $0x1  }
0xa3: {  	s23 =	simm.s32 $0x1B8B  }
0xa4: {  	_ =	swait.ge [sflag:s23], $0x1  }
0xa5: {  	[sflag:s23] =	ssyncset.done $0x0  }
0xa6: {  	s25 =	simm.s32 $0x1B8E;
	s24 =	sld [smem:$0x3FFE];
	[sflag:s23] =	ssyncadd.s32 $0xFFFFFFFF  }
0xa7: {  	s26 =	simm.s32 $execute0_lowered;
	[smem:$0x3FD2] =	sst s25  }
0xa8: {  	s7 =	sshll.u32 s26, $0x1;
	_ =	strace $0x80000046;
	[dreg:$0x1] =	wrdreg $0xFFFFFFFF  }
0xa9: {  	s28 =	simm.s32 $_size_execute0_lowered;
	s5 =	sadd.s32 s5, s7;
	[dreg:$0x0] =	wrdreg $0x0  }
0xaa: {  	s7 =	sshll.u32 s28, $0x1;
	[dreg:$0x2] =	wrdreg s5  }
0xab: {  	[dreg:$0x3] =	wrdreg s7  }
0xac: {  	[dreg:$0x4] =	wrdreg $0xC0  }
0xad: {  	_ =	task [dreg:s9], $0x5FFFF  }
0xae: {  	[dreg:$0x1] =	wrdreg $0xFFFFFFFF  }
0xaf: {  	[dreg:$0x0] =	wrdreg $0x60  }
0xb0: {  	[dreg:$0x2] =	wrdreg s24  }
0xb1: {  	[dreg:$0x3] =	wrdreg s2  }
0xb2: {  	[dreg:$0x4] =	wrdreg s18  }
0xb3: {  	[dreg:$0x5] =	wrdreg s4  }
0xb4: {  	[dreg:$0x6] =	wrdreg $0x9  }
0xb5: {  	_ =	task.clear_ibuf [dreg:s9], $0x7FFFF;
	_ =	strace $0x90000046  }
0xb6: {  	s29 =	simm.s32 $0x9;
	_ =	strace $0x80000048  }
0xb7: {  	_ =	swait.ge [sflag:s29], $0x1  }
0xb8: {  	[sflag:s29] =	ssyncadd.s32 $0xFFFFFFFF  }
0xb9: {  	_ =	strace $0x90000048  }
0xba: {  	_ =	sfence  }
0xbb: {  	s30 =	sld [smem:$0x0];
	_ =	sdelay $0x2  }
0xbc: {  	s31 =	sshll.u32 s1, $0xD;
	s1 =	sshrl.u32 s1, $0x2  }
0xbd: {  	s3 =	sand.u32 $0x4000, s31;
	s1 =	sadd.s32 s1, s30  }
0xbe: {  	s0 =	sor.u32 s3, s0;
	s1 =	sshll.u32 s1, $0x11  }
0xbf: {  	s0 =	sor.u32 s1, s0  }
0xc0: {  	s0 =	sadd.s32 $0x8F2B, s0  }
0xc1: {  	[sflag:s0] =	ssyncadd.remote.s32 $0x1  }
0xc2: {  	_ =	sfence.sel $0xFFFF  }
0xc3: {  	[dreg:$0x0] =	wrdreg $0xFFFFFFFF;
	(pc) =	sbr.abs _section_cstart, $3  }
0xc4: {  	[dreg:$0x1] =	wrdreg $0xFFFFFFFF  }
0xc5: {  	_ =	task.clear_ibuf [dreg:s9], $0x2FFFF;
	_ =	strace $0x9FFFFFFF  }
0xc6: {  	(tm) =	ssettm $0x7FFFFFFF  }
0xc7: {  	_ =	shalt  }
tec
execute0_lowered:
.L_overlay_start_1:
0x0: {  	(tag) =	ssettag $0x1  }
0x1: {  	s5 =	rddreg [dreg:$0x0]  }
0x2: {  	s1 =	rddreg [dreg:$0x1]  }
0x3: {  	s3 =	rddreg [dreg:$0x2]  }
0x4: {  	s6 =	rddreg [dreg:$0x3];
	s4 =	srdreg.scid  }
0x5: {  	s0 =	rddreg [dreg:$0x4];
	s2 =	stileid.u32;
	s11 =	simm.s32 $0x4300  }
0x6: {  	s12 =	simm.s32 $0x4200;
	s13 =	simm.s32 $0x8300;
	s14 =	simm.s32 $0x4180  }
0x7: {  	s15 =	simm.s32 $0x6300;
	s16 =	simm.s32 $0x4280;
	s17 =	simm.s32 $0xA300  }
0x8: {  	s18 =	simm.s32 $0x1;
	s19 =	simm.s32 $0x4000;
	s20 =	simm.s32 $0x2  }
0x9: {  	s21 =	simm.s32 $0x4080;
	s22 =	simm.s32 $0x3;
	s23 =	simm.s32 $0x4  }
0xa: {  	s24 =	simm.s32 $0xC300;
	s25 =	simm.s32 $0x0;
	s7 =	sand.u32 $0x1, s4  }
0xb: {  	s4 =	simm.s32 $0x0;
	s8 =	sshll.u32 s2, $0x8;
	s9 =	sshll.u32 s7, $0x7  }
0xc: {  	[smem:$0x7FF] =	sst s4;
	s7 =	ssub.s32 $0x2, s7;
	s8 =	sor.u32 s9, s8  }
0xd: {  	v0 =	vlaneseq.u32;
	_ =	strace $0x80000047;
	s10 =	sshrl.u32 s7, $0x1;
	s9 =	sshll.u32 s8, $0x4  }
0xe: {  	v1 =	vmul.u32 $0x80, v0;
	s7 =	ssub.s32 s7, s10;
	s8 =	sshrl.u32 s8, $0x3;
	s10 =	simm.s32 $0x4100  }
0xf: {  	s5 =	sadd.s32 s9, s5;
	s6 =	sadd.s32 s6, s8;
	s7 =	smax.u32 s7, $0x1  }
0x10: {  	v2 =	vor.u32 $0x800, v1;
	v3 =	vor.u32 $0x1000, v1;
	v4 =	vor.u32 $0x1800, v1;
	s8 =	simm.s32 $0x5;
	s9 =	simm.s32 $0x40;
	s5 =	sadd.s32 $0x400, s5  }
.LBB2_1:
0x11: {  	v5 =	vor.u32 $0x1, v1  }
0x12: {  	[tilespmem:s4], [sflag:$0x5] =	stream.linear.gather [hbm4b:s5+s4], $0x4000, $0x38;
	[tilespmem:$0xC380] =	vst v63  }
0x13: {  	_ =	swait.ge [sflag:s8], $0x4000  }
0x14: {  	[sflag:s8] =	ssyncset.done $0x0  }
0x15: {  	[sflag:s8] =	ssyncadd.s32 $0xFFFFC000  }
0x16: {  	v5 =	vld.idx.msk [tilespmem:v5+s4+$0x0], $0xffff  }
0x17: {  	v6 =	vor.u32 $0x801, v1;
	_ =	sdelay $0x3  }
0x18: {  	[tilespmem:$0x4100] =	vst v5  }
0x19: {  	v5 =	vld.idx.msk [tilespmem:v6+s4+$0x0], $0xffff  }
0x1a: {  	v6 =	vor.u32 $0x1001, v1;
	_ =	sdelay $0x3  }
0x1b: {  	[tilespmem:$0x4110] =	vst v5  }
0x1c: {  	v5 =	vld.idx.msk [tilespmem:v6+s4+$0x0], $0xffff  }
0x1d: {  	v6 =	vor.u32 $0x1801, v1;
	_ =	sdelay $0x3  }
0x1e: {  	[tilespmem:$0x4120] =	vst v5  }
0x1f: {  	v5 =	vld.idx.msk [tilespmem:v6+s4+$0x0], $0xffff  }
0x20: {  	v6 =	vor.u32 $0x2001, v1;
	_ =	sdelay $0x3  }
0x21: {  	[tilespmem:$0x4130] =	vst v5  }
0x22: {  	v5 =	vld.idx.msk [tilespmem:v6+s4+$0x0], $0xffff  }
0x23: {  	v6 =	vor.u32 $0x2801, v1;
	_ =	sdelay $0x3  }
0x24: {  	[tilespmem:$0x4180] =	vst v5  }
0x25: {  	v5 =	vld.idx.msk [tilespmem:v6+s4+$0x0], $0xffff  }
0x26: {  	v6 =	vor.u32 $0x3001, v1;
	_ =	sdelay $0x3  }
0x27: {  	[tilespmem:$0x4190] =	vst v5  }
0x28: {  	v5 =	vld.idx.msk [tilespmem:v6+s4+$0x0], $0xffff  }
0x29: {  	v6 =	vor.u32 $0x3801, v1;
	_ =	sdelay $0x3  }
0x2a: {  	[tilespmem:$0x41A0] =	vst v5  }
0x2b: {  	v5 =	vld.idx.msk [tilespmem:v6+s4+$0x0], $0xffff;
	_ =	sdelay $0x4  }
0x2c: {  	[tilespmem:$0x41B0] =	vst v5  }
0x2d: {  	v5 =	vld.idx.msk [tilespmem:v1+s4+$0x0], $0xffff;
	_ =	sdelay $0x4  }
0x2e: {  	[tilespmem:$0x4000] =	vst v5  }
0x2f: {  	v5 =	vld.idx.msk [tilespmem:v2+s4+$0x0], $0xffff;
	_ =	sdelay $0x4  }
0x30: {  	[tilespmem:$0x4010] =	vst v5  }
0x31: {  	v5 =	vld.idx.msk [tilespmem:v3+s4+$0x0], $0xffff;
	_ =	sdelay $0x4  }
0x32: {  	[tilespmem:$0x4020] =	vst v5  }
0x33: {  	v5 =	vld.idx.msk [tilespmem:v4+s4+$0x0], $0xffff  }
0x34: {  	v6 =	vor.u32 $0x2000, v1;
	_ =	sdelay $0x3  }
0x35: {  	[tilespmem:$0x4030] =	vst v5  }
0x36: {  	v5 =	vld.idx.msk [tilespmem:v6+s4+$0x0], $0xffff  }
0x37: {  	v6 =	vor.u32 $0x2800, v1;
	_ =	sdelay $0x3  }
0x38: {  	[tilespmem:$0x4080] =	vst v5  }
0x39: {  	v5 =	vld.idx.msk [tilespmem:v6+s4+$0x0], $0xffff  }
0x3a: {  	v6 =	vor.u32 $0x3000, v1;
	_ =	sdelay $0x3  }
0x3b: {  	[tilespmem:$0x4090] =	vst v5  }
0x3c: {  	v5 =	vld.idx.msk [tilespmem:v6+s4+$0x0], $0xffff  }
0x3d: {  	v6 =	vor.u32 $0x3800, v1;
	_ =	sdelay $0x3  }
0x3e: {  	[tilespmem:$0x40A0] =	vst v5  }
0x3f: {  	v5 =	vld.idx.msk [tilespmem:v6+s4+$0x0], $0xffff  }
0x40: {  	v6 =	vor.u32 $0x2, v1;
	_ =	sdelay $0x3  }
0x41: {  	[tilespmem:$0x40B0] =	vst v5  }
0x42: {  	v5 =	vld.idx.msk [tilespmem:v6+s4+$0x0], $0xffff  }
0x43: {  	v6 =	vor.u32 $0x802, v1;
	_ =	sdelay $0x3  }
0x44: {  	[tilespmem:$0x4200] =	vst v5  }
0x45: {  	v5 =	vld.idx.msk [tilespmem:v6+s4+$0x0], $0xffff  }
0x46: {  	v6 =	vor.u32 $0x1002, v1;
	_ =	sdelay $0x3  }
0x47: {  	[tilespmem:$0x4210] =	vst v5  }
0x48: {  	v5 =	vld.idx.msk [tilespmem:v6+s4+$0x0], $0xffff  }
0x49: {  	v6 =	vor.u32 $0x1802, v1;
	_ =	sdelay $0x3  }
0x4a: {  	[tilespmem:$0x4220] =	vst v5  }
0x4b: {  	v5 =	vld.idx.msk [tilespmem:v6+s4+$0x0], $0xffff  }
0x4c: {  	v6 =	vor.u32 $0x2002, v1;
	_ =	sdelay $0x3  }
0x4d: {  	[tilespmem:$0x4230] =	vst v5  }
0x4e: {  	v5 =	vld.idx.msk [tilespmem:v6+s4+$0x0], $0xffff  }
0x4f: {  	v6 =	vor.u32 $0x2802, v1;
	_ =	sdelay $0x3  }
0x50: {  	[tilespmem:$0x4280] =	vst v5  }
0x51: {  	v5 =	vld.idx.msk [tilespmem:v6+s4+$0x0], $0xffff  }
0x52: {  	v6 =	vor.u32 $0x3002, v1;
	_ =	sdelay $0x3  }
0x53: {  	[tilespmem:$0x4290] =	vst v5  }
0x54: {  	v5 =	vld.idx.msk [tilespmem:v6+s4+$0x0], $0xffff  }
0x55: {  	v6 =	vor.u32 $0x3802, v1;
	_ =	sdelay $0x3  }
0x56: {  	[tilespmem:$0x42A0] =	vst v5  }
0x57: {  	v5 =	vld.idx.msk [tilespmem:v6+s4+$0x0], $0xffff;
	_ =	sdelay $0x4  }
0x58: {  	[tilespmem:$0x42B0] =	vst v5  }
0x59: {  	[tilespmem:s11], [sflag:$0x1] =	stream.indirect.gather [hbm4b:s3+s9], $0x80, s10, s9, $0xb8;
	[tilespmem:$0xC380] =	vst v63  }
0x5a: {  	_ = 	snop  }
0x5b: {  	[tilespmem:s13], [sflag:$0x3] =	stream.indirect.gather [hbm4b:s1+s9], $0x80, s12, s9, $0xb8;
	[tilespmem:$0xC380] =	vst v63  }
0x5c: {  	_ = 	snop  }
0x5d: {  	[tilespmem:s15], [sflag:$0x2] =	stream.indirect.gather [hbm4b:s3+s9], $0x80, s14, s9, $0xb8;
	[tilespmem:$0xC380] =	vst v63  }
0x5e: {  	_ = 	snop  }
0x5f: {  	[tilespmem:s17], [sflag:$0x4] =	stream.indirect.gather [hbm4b:s1+s9], $0x80, s16, s9, $0xb8;
	[tilespmem:$0xC380] =	vst v63  }
0x60: {  	_ =	swait.ge [sflag:s18], $0x2000  }
0x61: {  	[sflag:s18] =	ssyncset.done $0x0  }
0x62: {  	[sflag:s18] =	ssyncadd.s32 $0xFFFFE000  }
0x63: {  	[tilespmem:s11], [sflag:$0x3] =	stream.indirect.gather.add.f32 [hbm:s1], $0x80, s19, s9, $0xb8;
	[tilespmem:$0xC380] =	vst v63  }
0x64: {  	_ =	swait.ge [sflag:s20], $0x2000  }
0x65: {  	[sflag:s20] =	ssyncset.done $0x0  }
0x66: {  	[sflag:s20] =	ssyncadd.s32 $0xFFFFE000  }
0x67: {  	[tilespmem:s15], [sflag:$0x4] =	stream.indirect.gather.add.f32 [hbm:s1], $0x80, s21, s9, $0xb8;
	[tilespmem:$0xC380] =	vst v63  }
0x68: {  	v5 =	vadd.s32 $0x2, v0;
	_ =	swait.ge [sflag:s22], $0x2000  }
0x69: {  	v7 =	vadd.s32 $0x1, v0;
	v6 =	vor.u32 v1, v0;
	v5 =	vand.u32 $0x7F, v5;
	[sflag:s22] =	ssyncset.done $0x0  }
0x6a: {  	v7 =	vand.u32 $0x7F, v7;
	v8 =	vor.u32 v1, v5;
	[sflag:s22] =	ssyncadd.s32 $0xFFFFE000  }
0x6b: {  	v5 =	vor.u32 v1, v7;
	v7 =	vadd.s32 $0x3, v0;
	_ =	swait.ge [sflag:s22], $0x2000  }
0x6c: {  	v7 =	vand.u32 $0x7F, v7;
	[sflag:s22] =	ssyncset.done $0x0  }
0x6d: {  	v9 =	vadd.s32 $0x4, v0;
	v7 =	vor.u32 v1, v7;
	[sflag:s22] =	ssyncadd.s32 $0xFFFFE000  }
0x6e: {  	v9 =	vand.u32 $0x7F, v9;
	v10 =	vld.idx.msk [tilespmem:v6+s11+$0x0], $0xffff  }
0x6f: {  	v9 =	vor.u32 v1, v9;
	v17 =	vld.idx.msk [tilespmem:v8+s11+$0x0], $0xffff  }
0x70: {  	v11 =	vadd.s32 $0x5, v0;
	v13 =	vld.idx.msk [tilespmem:v5+s11+$0x0], $0xffff  }
0x71: {  	v11 =	vand.u32 $0x7F, v11;
	v6 =	vld.idx.msk [tilespmem:v6+s13+$0x0], $0xffff  }
0x72: {  	v11 =	vor.u32 v1, v11;
	v14 =	vld.idx.msk [tilespmem:v7+s11+$0x0], $0xffff  }
0x73: {  	v12 =	vadd.s32 $0x6, v0;
	v15 =	vld.idx.msk [tilespmem:v5+s13+$0x0], $0xffff  }
0x74: {  	v12 =	vand.u32 $0x7F, v12;
	v5 =	vadd.s32 $0x7, v0;
	v18 =	vld.idx.msk [tilespmem:v9+s11+$0x0], $0xffff  }
0x75: {  	v16 =	vor.u32 v1, v12;
	v7 =	vld.idx.msk [tilespmem:v7+s13+$0x0], $0xffff;
	v5 =	vand.u32 $0x7F, v5  }
0x76: {  	v12 =	vadd.s32 $0x8, v0;
	v20 =	vld.idx.msk [tilespmem:v9+s13+$0x0], $0xffff;
	v19 =	vor.u32 v1, v5  }
0x77: {  	v21 =	vld.idx.msk [tilespmem:v11+s11+$0x0], $0xffff;
	v5 =	vand.u32 $0x7F, v12  }
0x78: {  	v22 =	vld.idx.msk [tilespmem:v11+s13+$0x0], $0xffff;
	v25 =	vor.u32 v1, v5;
	v11 =	vadd.s32 $0x1, v5  }
0x79: {  	v8 =	vld.idx.msk [tilespmem:v8+s13+$0x0], $0xffff;
	v9 =	vadd.s32 $0x2, v5;
	v11 =	vand.u32 $0x7F, v11;
	v10 =	vsub.f32 v10, v6  }
0x7a: {  	v6 =	vand.u32 $0x7F, v9;
	v9 =	vld.idx.msk [tilespmem:v16+s11+$0x0], $0xffff;
	v11 =	vor.u32 v1, v11  }
0x7b: {  	v26 =	vsub.f32 v13, v15;
	v24 =	vand.u32 $0x7FFFFFFF, v10;
	v12 =	vld.idx.msk [tilespmem:v19+s13+$0x0], $0xffff;
	v10 =	vadd.s32 $0x3, v5  }
0x7c: {  	v15 =	vsub.f32 v14, v7;
	v6 =	vor.u32 v1, v6;
	v13 =	vld.idx.msk [tilespmem:v19+s11+$0x0], $0xffff;
	v7 =	vand.u32 $0x7F, v10  }
0x7d: {  	v23 =	vimm.f32 $0.0e+00;
	v19 =	vadd.s32 $0x4, v5;
	v10 =	vld.idx.msk [tilespmem:v25+s11+$0x0], $0xffff;
	v14 =	vor.u32 v1, v7  }
0x7e: {  	v27 =	vadd.s32 $0x7, v5;
	v63 =	vadd.s32 $0x5, v5;
	v28 =	vand.u32 $0x7F, v19;
	v19 =	vld.idx.msk [tilespmem:v16+s13+$0x0], $0xffff  }
0x7f: {  	v24 =	vadd.f32 v24, v23;
	v23 =	vsub.f32 v18, v20;
	v18 =	vld.idx.msk [tilespmem:v25+s13+$0x0], $0xffff;
	v16 =	vor.u32 v1, v28  }
0x80: {  	v21 =	vsub.f32 v21, v22;
	v22 =	vsub.f32 v17, v8;
	v17 =	vand.u32 $0x7F, v63;
	v8 =	vld.idx.msk [tilespmem:v11+s11+$0x0], $0xffff  }
0x81: {  	s26 =	simm.s32 $0x8;
	v17 =	vor.u32 v1, v17;
	v20 =	vand.u32 $0x7F, v27;
	v25 =	vand.u32 $0x7FFFFFFF, v26;
	v7 =	vld.idx.msk [tilespmem:v6+s11+$0x0], $0xffff  }
.LBB2_2:
0x82: {  	s26 =	sadd.s32 $0x8, s26;
	v26 =	vld.idx.msk [tilespmem:v14+s11+$0x0], $0xffff;
	v27 =	vadd.s32 $0x6, v5;
	v24 =	vadd.f32 v25, v24;
	v22 =	vand.u32 $0x7FFFFFFF, v22  }
0x83: {  	v23 =	vand.u32 $0x7FFFFFFF, v23;
	v21 =	vand.u32 $0x7FFFFFFF, v21;
	p0 =	slt.u32 s26, $0x78;
	v25 =	vld.idx.msk [tilespmem:v11+s13+$0x0], $0xffff;
	v11 =	vand.u32 $0x7F, v27  }
0x84: {  	v5 =	vadd.s32 $0x8, v5;
	v9 =	vsub.f32 v9, v19;
	v27 =	vld.idx.msk [tilespmem:v16+s11+$0x0], $0xffff;
	v22 =	vadd.f32 v22, v24  }
0x85: {  	v19 =	vor.u32 v1, v11;
	v11 =	vand.u32 $0x7FFFFFFF, v15;
	v24 =	vsub.f32 v13, v12;
	v14 =	vld.idx.msk [tilespmem:v14+s13+$0x0], $0xffff  }
0x86: {  	v5 =	vand.u32 $0x7F, v5;
	v13 =	vor.u32 v1, v20;
	v28 =	vld.idx.msk [tilespmem:v16+s13+$0x0], $0xffff;
	v11 =	vadd.f32 v11, v22  }
0x87: {  	v20 =	vor.u32 v1, v5;
	v12 =	vadd.s32 $0x1, v5;
	v10 =	vsub.f32 v10, v18;
	v16 =	vld.idx.msk [tilespmem:v17+s11+$0x0], $0xffff  }
0x88: {  	v15 =	vadd.s32 $0x2, v5;
	v12 =	vand.u32 $0x7F, v12;
	v17 =	vld.idx.msk [tilespmem:v17+s13+$0x0], $0xffff;
	v18 =	vadd.f32 v23, v11  }
0x89: {  	v11 =	vor.u32 v1, v12;
	v12 =	vand.u32 $0x7F, v15;
	v23 =	vand.u32 $0x7FFFFFFF, v9;
	v22 =	vld.idx.msk [tilespmem:v6+s13+$0x0], $0xffff  }
0x8a: {  	v29 =	vand.u32 $0x7FFFFFFF, v10;
	v6 =	vor.u32 v1, v12;
	v9 =	vld.idx.msk [tilespmem:v19+s11+$0x0], $0xffff;
	v10 =	vadd.f32 v21, v18  }
0x8b: {  	v25 =	vsub.f32 v8, v25;
	v18 =	vadd.s32 $0x3, v5;
	v15 =	vsub.f32 v26, v14;
	v12 =	vld.idx.msk [tilespmem:v13+s13+$0x0], $0xffff  }
0x8c: {  	v26 =	vadd.s32 $0x7, v5;
	v8 =	vand.u32 $0x7F, v18;
	v13 =	vld.idx.msk [tilespmem:v13+s11+$0x0], $0xffff;
	v18 =	vadd.f32 v23, v10  }
.Ltmp0:
0x8d: {  	v14 =	vor.u32 v1, v8;
	v8 =	vadd.s32 $0x4, v5;
	v23 =	vand.u32 $0x7FFFFFFF, v24;
	v10 =	vld.idx.msk [tilespmem:v20+s11+$0x0], $0xffff;
	(pc) =	sbr.rel @p0 .LBB2_2-.Ltmp0, $4  }
0x8e: {  	v8 =	vand.u32 $0x7F, v8;
	v21 =	vsub.f32 v16, v17;
	v19 =	vld.idx.msk [tilespmem:v19+s13+$0x0], $0xffff;
	v17 =	vadd.f32 v23, v18  }
0x8f: {  	v16 =	vor.u32 v1, v8;
	v18 =	vadd.s32 $0x5, v5;
	v22 =	vsub.f32 v7, v22;
	v7 =	vld.idx.msk [tilespmem:v6+s11+$0x0], $0xffff  }
0x90: {  	v23 =	vsub.f32 v27, v28;
	v30 =	vand.u32 $0x7F, v18;
	v8 =	vld.idx.msk [tilespmem:v11+s11+$0x0], $0xffff;
	v24 =	vadd.f32 v29, v17  }
0x91: {  	v25 =	vand.u32 $0x7FFFFFFF, v25;
	v17 =	vor.u32 v1, v30;
	v18 =	vld.idx.msk [tilespmem:v20+s13+$0x0], $0xffff;
	v20 =	vand.u32 $0x7F, v26  }
0x92: {  	v24 =	vadd.f32 v25, v24  }
0x93: {  	v22 =	vand.u32 $0x7FFFFFFF, v22  }
0x94: {  	v22 =	vadd.f32 v22, v24  }
0x95: {  	v15 =	vand.u32 $0x7FFFFFFF, v15  }
0x96: {  	v15 =	vadd.f32 v15, v22  }
0x97: {  	v22 =	vand.u32 $0x7FFFFFFF, v23  }
0x98: {  	v15 =	vadd.f32 v22, v15  }
0x99: {  	v21 =	vand.u32 $0x7FFFFFFF, v21;
	v9 =	vsub.f32 v9, v19  }
0x9a: {  	v11 =	vld.idx.msk [tilespmem:v11+s13+$0x0], $0xffff;
	v15 =	vadd.f32 v21, v15  }
0x9b: {  	v12 =	vsub.f32 v13, v12;
	v9 =	vand.u32 $0x7FFFFFFF, v9  }
0x9c: {  	v5 =	vadd.s32 $0x6, v5;
	v6 =	vld.idx.msk [tilespmem:v6+s13+$0x0], $0xffff;
	v9 =	vadd.f32 v9, v15  }
0x9d: {  	v13 =	vld.idx.msk [tilespmem:v14+s11+$0x0], $0xffff;
	v5 =	vand.u32 $0x7F, v5;
	v12 =	vand.u32 $0x7FFFFFFF, v12;
	v10 =	vsub.f32 v10, v18  }
0x9e: {  	v14 =	vld.idx.msk [tilespmem:v14+s13+$0x0], $0xffff;
	v5 =	vor.u32 v1, v5;
	v9 =	vadd.f32 v12, v9  }
0x9f: {  	v8 =	vsub.f32 v8, v11;
	v11 =	vld.idx.msk [tilespmem:v16+s13+$0x0], $0xffff;
	v10 =	vand.u32 $0x7FFFFFFF, v10  }
0xa0: {  	v15 =	vor.u32 v1, v20;
	v12 =	vld.idx.msk [tilespmem:v16+s11+$0x0], $0xffff;
	v9 =	vadd.f32 v10, v9  }
0xa1: {  	v6 =	vsub.f32 v7, v6;
	v7 =	vand.u32 $0x7FFFFFFF, v8;
	v8 =	vld.idx.msk [tilespmem:v17+s13+$0x0], $0xffff  }
0xa2: {  	v10 =	vld.idx.msk [tilespmem:v17+s11+$0x0], $0xffff;
	v7 =	vadd.f32 v7, v9  }
0xa3: {  	v13 =	vsub.f32 v13, v14;
	v6 =	vand.u32 $0x7FFFFFFF, v6;
	v9 =	vld.idx.msk [tilespmem:v5+s11+$0x0], $0xffff  }
0xa4: {  	v5 =	vld.idx.msk [tilespmem:v5+s13+$0x0], $0xffff;
	v6 =	vadd.f32 v6, v7  }
0xa5: {  	v11 =	vsub.f32 v12, v11;
	v12 =	vand.u32 $0x7FFFFFFF, v13;
	v13 =	vld.idx.msk [tilespmem:v15+s11+$0x0], $0xffff  }
0xa6: {  	v7 =	vld.idx.msk [tilespmem:v15+s13+$0x0], $0xffff;
	v6 =	vadd.f32 v12, v6  }
0xa7: {  	v8 =	vsub.f32 v10, v8;
	v10 =	vand.u32 $0x7FFFFFFF, v11  }
0xa8: {  	v6 =	vadd.f32 v10, v6  }
0xa9: {  	v8 =	vand.u32 $0x7FFFFFFF, v8;
	v5 =	vsub.f32 v9, v5  }
0xaa: {  	v6 =	vadd.f32 v8, v6  }
0xab: {  	v7 =	vsub.f32 v13, v7;
	v5 =	vand.u32 $0x7FFFFFFF, v5  }
0xac: {  	v5 =	vadd.f32 v5, v6  }
0xad: {  	v6 =	vand.u32 $0x7FFFFFFF, v7;
	v7 =	vlaneseq.u32  }
0xae: {  	v8 =	vor.u32 v2, v7;
	v9 =	vadd.s32 $0x1, v7;
	v5 =	vadd.f32 v6, v5  }
0xaf: {  	v9 =	vand.u32 $0x7F, v9  }
0xb0: {  	v12 =	vadd.s32 $0x5, v7;
	v9 =	vor.u32 v2, v9;
	v5 =	vsub.f32 $1.200000000e+01, v5  }
0xb1: {  	v12 =	vand.u32 $0x7F, v12  }
0xb2: {  	v6 =	vadd.s32 $0x2, v7;
	v12 =	vor.u32 v2, v12;
	[tilespmem:$0xC300] =	vst v5  }
0xb3: {  	v10 =	vadd.s32 $0x3, v7;
	v6 =	vand.u32 $0x7F, v6;
	v11 =	vld.idx.msk [tilespmem:v8+s11+$0x0], $0xffff  }
0xb4: {  	v10 =	vand.u32 $0x7F, v10;
	v6 =	vor.u32 v2, v6;
	v8 =	vld.idx.msk [tilespmem:v8+s13+$0x0], $0xffff  }
0xb5: {  	v5 =	vor.u32 v2, v10;
	v13 =	vld.idx.msk [tilespmem:v9+s11+$0x0], $0xffff  }
0xb6: {  	v10 =	vadd.s32 $0x4, v7;
	v16 =	vld.idx.msk [tilespmem:v9+s13+$0x0], $0xffff  }
0xb7: {  	v10 =	vand.u32 $0x7F, v10;
	v21 =	vld.idx.msk [tilespmem:v12+s11+$0x0], $0xffff  }
0xb8: {  	v15 =	vadd.s32 $0x6, v7;
	v10 =	vor.u32 v2, v10;
	v22 =	vld.idx.msk [tilespmem:v12+s13+$0x0], $0xffff  }
0xb9: {  	v15 =	vand.u32 $0x7F, v15;
	v9 =	vadd.s32 $0x7, v7;
	v17 =	vld.idx.msk [tilespmem:v6+s11+$0x0], $0xffff  }
0xba: {  	v20 =	vor.u32 v2, v15;
	v9 =	vand.u32 $0x7F, v9;
	v14 =	vld.idx.msk [tilespmem:v5+s11+$0x0], $0xffff  }
0xbb: {  	v19 =	vld.idx.msk [tilespmem:v5+s13+$0x0], $0xffff;
	v5 =	vadd.s32 $0x8, v7;
	v7 =	vor.u32 v2, v9  }
0xbc: {  	v24 =	vld.idx.msk [tilespmem:v6+s13+$0x0], $0xffff;
	v5 =	vand.u32 $0x7F, v5  }
0xbd: {  	v18 =	vld.idx.msk [tilespmem:v10+s11+$0x0], $0xffff;
	v9 =	vadd.s32 $0x2, v5  }
0xbe: {  	v8 =	vsub.f32 v11, v8;
	v23 =	vld.idx.msk [tilespmem:v10+s13+$0x0], $0xffff;
	v25 =	vor.u32 v2, v5;
	v9 =	vand.u32 $0x7F, v9  }
0xbf: {  	v26 =	vimm.f32 $0.0e+00;
	v10 =	vadd.s32 $0x1, v5;
	v6 =	vor.u32 v2, v9;
	v9 =	vld.idx.msk [tilespmem:v20+s11+$0x0], $0xffff  }
0xc0: {  	v10 =	vand.u32 $0x7F, v10;
	v27 =	vand.u32 $0x7FFFFFFF, v8;
	v8 =	vadd.s32 $0x3, v5;
	v12 =	vld.idx.msk [tilespmem:v7+s13+$0x0], $0xffff  }
0xc1: {  	v28 =	vsub.f32 v13, v16;
	v11 =	vor.u32 v2, v10;
	v13 =	vld.idx.msk [tilespmem:v7+s11+$0x0], $0xffff;
	v7 =	vand.u32 $0x7F, v8  }
0xc2: {  	v15 =	vsub.f32 v14, v19;
	v8 =	vadd.s32 $0x4, v5;
	v19 =	vld.idx.msk [tilespmem:v20+s13+$0x0], $0xffff;
	v14 =	vor.u32 v2, v7  }
0xc3: {  	v29 =	vadd.s32 $0x7, v5;
	v21 =	vsub.f32 v21, v22;
	v8 =	vand.u32 $0x7F, v8;
	v10 =	vld.idx.msk [tilespmem:v25+s11+$0x0], $0xffff  }
0xc4: {  	v20 =	vadd.s32 $0x5, v5;
	v16 =	vor.u32 v2, v8;
	v23 =	vsub.f32 v18, v23;
	v18 =	vld.idx.msk [tilespmem:v25+s13+$0x0], $0xffff  }
0xc5: {  	v22 =	vsub.f32 v17, v24;
	v24 =	vadd.f32 v27, v26;
	v17 =	vand.u32 $0x7F, v20;
	v7 =	vld.idx.msk [tilespmem:v6+s11+$0x0], $0xffff  }
0xc6: {  	s26 =	simm.s32 $0x8;
	v20 =	vand.u32 $0x7F, v29;
	v17 =	vor.u32 v2, v17;
	v25 =	vand.u32 $0x7FFFFFFF, v28;
	v8 =	vld.idx.msk [tilespmem:v11+s11+$0x0], $0xffff  }
.LBB2_4:
0xc7: {  	s26 =	sadd.s32 $0x8, s26;
	v26 =	vld.idx.msk [tilespmem:v14+s11+$0x0], $0xffff;
	v27 =	vadd.s32 $0x6, v5;
	v24 =	vadd.f32 v25, v24;
	v22 =	vand.u32 $0x7FFFFFFF, v22  }
0xc8: {  	v23 =	vand.u32 $0x7FFFFFFF, v23;
	v21 =	vand.u32 $0x7FFFFFFF, v21;
	p0 =	slt.u32 s26, $0x78;
	v25 =	vld.idx.msk [tilespmem:v11+s13+$0x0], $0xffff;
	v11 =	vand.u32 $0x7F, v27  }
0xc9: {  	v5 =	vadd.s32 $0x8, v5;
	v9 =	vsub.f32 v9, v19;
	v27 =	vld.idx.msk [tilespmem:v16+s11+$0x0], $0xffff;
	v22 =	vadd.f32 v22, v24  }
0xca: {  	v19 =	vor.u32 v2, v11;
	v11 =	vand.u32 $0x7FFFFFFF, v15;
	v24 =	vsub.f32 v13, v12;
	v14 =	vld.idx.msk [tilespmem:v14+s13+$0x0], $0xffff  }
0xcb: {  	v5 =	vand.u32 $0x7F, v5;
	v13 =	vor.u32 v2, v20;
	v28 =	vld.idx.msk [tilespmem:v16+s13+$0x0], $0xffff;
	v11 =	vadd.f32 v11, v22  }
0xcc: {  	v20 =	vor.u32 v2, v5;
	v12 =	vadd.s32 $0x1, v5;
	v10 =	vsub.f32 v10, v18;
	v16 =	vld.idx.msk [tilespmem:v17+s11+$0x0], $0xffff  }
0xcd: {  	v15 =	vadd.s32 $0x2, v5;
	v12 =	vand.u32 $0x7F, v12;
	v17 =	vld.idx.msk [tilespmem:v17+s13+$0x0], $0xffff;
	v18 =	vadd.f32 v23, v11  }
0xce: {  	v11 =	vor.u32 v2, v12;
	v12 =	vand.u32 $0x7F, v15;
	v23 =	vand.u32 $0x7FFFFFFF, v9;
	v22 =	vld.idx.msk [tilespmem:v6+s13+$0x0], $0xffff  }
0xcf: {  	v29 =	vand.u32 $0x7FFFFFFF, v10;
	v6 =	vor.u32 v2, v12;
	v9 =	vld.idx.msk [tilespmem:v19+s11+$0x0], $0xffff;
	v10 =	vadd.f32 v21, v18  }
0xd0: {  	v25 =	vsub.f32 v8, v25;
	v18 =	vadd.s32 $0x3, v5;
	v15 =	vsub.f32 v26, v14;
	v12 =	vld.idx.msk [tilespmem:v13+s13+$0x0], $0xffff  }
0xd1: {  	v26 =	vadd.s32 $0x7, v5;
	v8 =	vand.u32 $0x7F, v18;
	v13 =	vld.idx.msk [tilespmem:v13+s11+$0x0], $0xffff;
	v18 =	vadd.f32 v23, v10  }
.Ltmp1:
0xd2: {  	v14 =	vor.u32 v2, v8;
	v8 =	vadd.s32 $0x4, v5;
	v23 =	vand.u32 $0x7FFFFFFF, v24;
	v10 =	vld.idx.msk [tilespmem:v20+s11+$0x0], $0xffff;
	(pc) =	sbr.rel @p0 .LBB2_4-.Ltmp1, $4  }
0xd3: {  	v8 =	vand.u32 $0x7F, v8;
	v21 =	vsub.f32 v16, v17;
	v19 =	vld.idx.msk [tilespmem:v19+s13+$0x0], $0xffff;
	v17 =	vadd.f32 v23, v18  }
0xd4: {  	v16 =	vor.u32 v2, v8;
	v18 =	vadd.s32 $0x5, v5;
	v22 =	vsub.f32 v7, v22;
	v7 =	vld.idx.msk [tilespmem:v6+s11+$0x0], $0xffff  }
0xd5: {  	v23 =	vsub.f32 v27, v28;
	v30 =	vand.u32 $0x7F, v18;
	v8 =	vld.idx.msk [tilespmem:v11+s11+$0x0], $0xffff;
	v24 =	vadd.f32 v29, v17  }
0xd6: {  	v25 =	vand.u32 $0x7FFFFFFF, v25;
	v17 =	vor.u32 v2, v30;
	v18 =	vld.idx.msk [tilespmem:v20+s13+$0x0], $0xffff;
	v20 =	vand.u32 $0x7F, v26  }
0xd7: {  	v24 =	vadd.f32 v25, v24  }
0xd8: {  	v22 =	vand.u32 $0x7FFFFFFF, v22  }
0xd9: {  	v22 =	vadd.f32 v22, v24  }
0xda: {  	v15 =	vand.u32 $0x7FFFFFFF, v15  }
0xdb: {  	v15 =	vadd.f32 v15, v22  }
0xdc: {  	v22 =	vand.u32 $0x7FFFFFFF, v23  }
0xdd: {  	v15 =	vadd.f32 v22, v15  }
0xde: {  	v21 =	vand.u32 $0x7FFFFFFF, v21;
	v9 =	vsub.f32 v9, v19  }
0xdf: {  	v11 =	vld.idx.msk [tilespmem:v11+s13+$0x0], $0xffff;
	v15 =	vadd.f32 v21, v15  }
0xe0: {  	v12 =	vsub.f32 v13, v12;
	v9 =	vand.u32 $0x7FFFFFFF, v9  }
0xe1: {  	v5 =	vadd.s32 $0x6, v5;
	v6 =	vld.idx.msk [tilespmem:v6+s13+$0x0], $0xffff;
	v9 =	vadd.f32 v9, v15  }
0xe2: {  	v13 =	vld.idx.msk [tilespmem:v14+s11+$0x0], $0xffff;
	v5 =	vand.u32 $0x7F, v5;
	v12 =	vand.u32 $0x7FFFFFFF, v12;
	v10 =	vsub.f32 v10, v18  }
0xe3: {  	v14 =	vld.idx.msk [tilespmem:v14+s13+$0x0], $0xffff;
	v5 =	vor.u32 v2, v5;
	v9 =	vadd.f32 v12, v9  }
0xe4: {  	v8 =	vsub.f32 v8, v11;
	v11 =	vld.idx.msk [tilespmem:v16+s13+$0x0], $0xffff;
	v10 =	vand.u32 $0x7FFFFFFF, v10  }
0xe5: {  	v15 =	vor.u32 v2, v20;
	v12 =	vld.idx.msk [tilespmem:v16+s11+$0x0], $0xffff;
	v9 =	vadd.f32 v10, v9  }
0xe6: {  	v6 =	vsub.f32 v7, v6;
	v7 =	vand.u32 $0x7FFFFFFF, v8;
	v8 =	vld.idx.msk [tilespmem:v17+s13+$0x0], $0xffff  }
0xe7: {  	v10 =	vld.idx.msk [tilespmem:v17+s11+$0x0], $0xffff;
	v7 =	vadd.f32 v7, v9  }
0xe8: {  	v13 =	vsub.f32 v13, v14;
	v6 =	vand.u32 $0x7FFFFFFF, v6;
	v9 =	vld.idx.msk [tilespmem:v5+s11+$0x0], $0xffff  }
0xe9: {  	v5 =	vld.idx.msk [tilespmem:v5+s13+$0x0], $0xffff;
	v6 =	vadd.f32 v6, v7  }
0xea: {  	v11 =	vsub.f32 v12, v11;
	v12 =	vand.u32 $0x7FFFFFFF, v13;
	v13 =	vld.idx.msk [tilespmem:v15+s11+$0x0], $0xffff  }
0xeb: {  	v7 =	vld.idx.msk [tilespmem:v15+s13+$0x0], $0xffff;
	v6 =	vadd.f32 v12, v6  }
0xec: {  	v8 =	vsub.f32 v10, v8;
	v10 =	vand.u32 $0x7FFFFFFF, v11  }
0xed: {  	v6 =	vadd.f32 v10, v6  }
0xee: {  	v8 =	vand.u32 $0x7FFFFFFF, v8;
	v5 =	vsub.f32 v9, v5  }
0xef: {  	v6 =	vadd.f32 v8, v6  }
0xf0: {  	v7 =	vsub.f32 v13, v7;
	v5 =	vand.u32 $0x7FFFFFFF, v5  }
0xf1: {  	v5 =	vadd.f32 v5, v6  }
0xf2: {  	v6 =	vand.u32 $0x7FFFFFFF, v7;
	v7 =	vlaneseq.u32  }
0xf3: {  	v8 =	vor.u32 v3, v7;
	v9 =	vadd.s32 $0x1, v7;
	v5 =	vadd.f32 v6, v5  }
0xf4: {  	v9 =	vand.u32 $0x7F, v9  }
0xf5: {  	v12 =	vadd.s32 $0x5, v7;
	v9 =	vor.u32 v3, v9;
	v5 =	vsub.f32 $1.200000000e+01, v5  }
0xf6: {  	v12 =	vand.u32 $0x7F, v12  }
0xf7: {  	v6 =	vadd.s32 $0x2, v7;
	v12 =	vor.u32 v3, v12;
	[tilespmem:$0xC310] =	vst v5  }
0xf8: {  	v10 =	vadd.s32 $0x3, v7;
	v6 =	vand.u32 $0x7F, v6;
	v11 =	vld.idx.msk [tilespmem:v8+s11+$0x0], $0xffff  }
0xf9: {  	v10 =	vand.u32 $0x7F, v10;
	v6 =	vor.u32 v3, v6;
	v8 =	vld.idx.msk [tilespmem:v8+s13+$0x0], $0xffff  }
0xfa: {  	v5 =	vor.u32 v3, v10;
	v13 =	vld.idx.msk [tilespmem:v9+s11+$0x0], $0xffff  }
0xfb: {  	v10 =	vadd.s32 $0x4, v7;
	v16 =	vld.idx.msk [tilespmem:v9+s13+$0x0], $0xffff  }
0xfc: {  	v10 =	vand.u32 $0x7F, v10;
	v21 =	vld.idx.msk [tilespmem:v12+s11+$0x0], $0xffff  }
0xfd: {  	v15 =	vadd.s32 $0x6, v7;
	v10 =	vor.u32 v3, v10;
	v22 =	vld.idx.msk [tilespmem:v12+s13+$0x0], $0xffff  }
0xfe: {  	v15 =	vand.u32 $0x7F, v15;
	v9 =	vadd.s32 $0x7, v7;
	v17 =	vld.idx.msk [tilespmem:v6+s11+$0x0], $0xffff  }
0xff: {  	v20 =	vor.u32 v3, v15;
	v9 =	vand.u32 $0x7F, v9;
	v14 =	vld.idx.msk [tilespmem:v5+s11+$0x0], $0xffff  }
0x100: {  	v19 =	vld.idx.msk [tilespmem:v5+s13+$0x0], $0xffff;
	v5 =	vadd.s32 $0x8, v7;
	v7 =	vor.u32 v3, v9  }
0x101: {  	v24 =	vld.idx.msk [tilespmem:v6+s13+$0x0], $0xffff;
	v5 =	vand.u32 $0x7F, v5  }
0x102: {  	v18 =	vld.idx.msk [tilespmem:v10+s11+$0x0], $0xffff;
	v9 =	vadd.s32 $0x2, v5  }
0x103: {  	v8 =	vsub.f32 v11, v8;
	v23 =	vld.idx.msk [tilespmem:v10+s13+$0x0], $0xffff;
	v25 =	vor.u32 v3, v5;
	v9 =	vand.u32 $0x7F, v9  }
0x104: {  	v26 =	vimm.f32 $0.0e+00;
	v10 =	vadd.s32 $0x1, v5;
	v6 =	vor.u32 v3, v9;
	v9 =	vld.idx.msk [tilespmem:v20+s11+$0x0], $0xffff  }
0x105: {  	v10 =	vand.u32 $0x7F, v10;
	v27 =	vand.u32 $0x7FFFFFFF, v8;
	v8 =	vadd.s32 $0x3, v5;
	v12 =	vld.idx.msk [tilespmem:v7+s13+$0x0], $0xffff  }
0x106: {  	v28 =	vsub.f32 v13, v16;
	v11 =	vor.u32 v3, v10;
	v13 =	vld.idx.msk [tilespmem:v7+s11+$0x0], $0xffff;
	v7 =	vand.u32 $0x7F, v8  }
0x107: {  	v15 =	vsub.f32 v14, v19;
	v8 =	vadd.s32 $0x4, v5;
	v19 =	vld.idx.msk [tilespmem:v20+s13+$0x0], $0xffff;
	v14 =	vor.u32 v3, v7  }
0x108: {  	v29 =	vadd.s32 $0x7, v5;
	v21 =	vsub.f32 v21, v22;
	v8 =	vand.u32 $0x7F, v8;
	v10 =	vld.idx.msk [tilespmem:v25+s11+$0x0], $0xffff  }
0x109: {  	v20 =	vadd.s32 $0x5, v5;
	v16 =	vor.u32 v3, v8;
	v23 =	vsub.f32 v18, v23;
	v18 =	vld.idx.msk [tilespmem:v25+s13+$0x0], $0xffff  }
0x10a: {  	v22 =	vsub.f32 v17, v24;
	v24 =	vadd.f32 v27, v26;
	v17 =	vand.u32 $0x7F, v20;
	v7 =	vld.idx.msk [tilespmem:v6+s11+$0x0], $0xffff  }
0x10b: {  	s26 =	simm.s32 $0x8;
	v20 =	vand.u32 $0x7F, v29;
	v17 =	vor.u32 v3, v17;
	v25 =	vand.u32 $0x7FFFFFFF, v28;
	v8 =	vld.idx.msk [tilespmem:v11+s11+$0x0], $0xffff  }
.LBB2_6:
0x10c: {  	s26 =	sadd.s32 $0x8, s26;
	v26 =	vld.idx.msk [tilespmem:v14+s11+$0x0], $0xffff;
	v27 =	vadd.s32 $0x6, v5;
	v24 =	vadd.f32 v25, v24;
	v22 =	vand.u32 $0x7FFFFFFF, v22  }
0x10d: {  	v23 =	vand.u32 $0x7FFFFFFF, v23;
	v21 =	vand.u32 $0x7FFFFFFF, v21;
	p0 =	slt.u32 s26, $0x78;
	v25 =	vld.idx.msk [tilespmem:v11+s13+$0x0], $0xffff;
	v11 =	vand.u32 $0x7F, v27  }
0x10e: {  	v5 =	vadd.s32 $0x8, v5;
	v9 =	vsub.f32 v9, v19;
	v27 =	vld.idx.msk [tilespmem:v16+s11+$0x0], $0xffff;
	v22 =	vadd.f32 v22, v24  }
0x10f: {  	v19 =	vor.u32 v3, v11;
	v11 =	vand.u32 $0x7FFFFFFF, v15;
	v24 =	vsub.f32 v13, v12;
	v14 =	vld.idx.msk [tilespmem:v14+s13+$0x0], $0xffff  }
0x110: {  	v5 =	vand.u32 $0x7F, v5;
	v13 =	vor.u32 v3, v20;
	v28 =	vld.idx.msk [tilespmem:v16+s13+$0x0], $0xffff;
	v11 =	vadd.f32 v11, v22  }
0x111: {  	v20 =	vor.u32 v3, v5;
	v12 =	vadd.s32 $0x1, v5;
	v10 =	vsub.f32 v10, v18;
	v16 =	vld.idx.msk [tilespmem:v17+s11+$0x0], $0xffff  }
0x112: {  	v15 =	vadd.s32 $0x2, v5;
	v12 =	vand.u32 $0x7F, v12;
	v17 =	vld.idx.msk [tilespmem:v17+s13+$0x0], $0xffff;
	v18 =	vadd.f32 v23, v11  }
0x113: {  	v11 =	vor.u32 v3, v12;
	v12 =	vand.u32 $0x7F, v15;
	v23 =	vand.u32 $0x7FFFFFFF, v9;
	v22 =	vld.idx.msk [tilespmem:v6+s13+$0x0], $0xffff  }
0x114: {  	v29 =	vand.u32 $0x7FFFFFFF, v10;
	v6 =	vor.u32 v3, v12;
	v9 =	vld.idx.msk [tilespmem:v19+s11+$0x0], $0xffff;
	v10 =	vadd.f32 v21, v18  }
0x115: {  	v25 =	vsub.f32 v8, v25;
	v18 =	vadd.s32 $0x3, v5;
	v15 =	vsub.f32 v26, v14;
	v12 =	vld.idx.msk [tilespmem:v13+s13+$0x0], $0xffff  }
0x116: {  	v26 =	vadd.s32 $0x7, v5;
	v8 =	vand.u32 $0x7F, v18;
	v13 =	vld.idx.msk [tilespmem:v13+s11+$0x0], $0xffff;
	v18 =	vadd.f32 v23, v10  }
.Ltmp2:
0x117: {  	v14 =	vor.u32 v3, v8;
	v8 =	vadd.s32 $0x4, v5;
	v23 =	vand.u32 $0x7FFFFFFF, v24;
	v10 =	vld.idx.msk [tilespmem:v20+s11+$0x0], $0xffff;
	(pc) =	sbr.rel @p0 .LBB2_6-.Ltmp2, $4  }
0x118: {  	v8 =	vand.u32 $0x7F, v8;
	v21 =	vsub.f32 v16, v17;
	v19 =	vld.idx.msk [tilespmem:v19+s13+$0x0], $0xffff;
	v17 =	vadd.f32 v23, v18  }
0x119: {  	v16 =	vor.u32 v3, v8;
	v18 =	vadd.s32 $0x5, v5;
	v22 =	vsub.f32 v7, v22;
	v7 =	vld.idx.msk [tilespmem:v6+s11+$0x0], $0xffff  }
0x11a: {  	v23 =	vsub.f32 v27, v28;
	v30 =	vand.u32 $0x7F, v18;
	v8 =	vld.idx.msk [tilespmem:v11+s11+$0x0], $0xffff;
	v24 =	vadd.f32 v29, v17  }
0x11b: {  	v25 =	vand.u32 $0x7FFFFFFF, v25;
	v17 =	vor.u32 v3, v30;
	v18 =	vld.idx.msk [tilespmem:v20+s13+$0x0], $0xffff;
	v20 =	vand.u32 $0x7F, v26  }
0x11c: {  	v24 =	vadd.f32 v25, v24  }
0x11d: {  	v22 =	vand.u32 $0x7FFFFFFF, v22  }
0x11e: {  	v22 =	vadd.f32 v22, v24  }
0x11f: {  	v15 =	vand.u32 $0x7FFFFFFF, v15  }
0x120: {  	v15 =	vadd.f32 v15, v22  }
0x121: {  	v22 =	vand.u32 $0x7FFFFFFF, v23  }
0x122: {  	v15 =	vadd.f32 v22, v15  }
0x123: {  	v21 =	vand.u32 $0x7FFFFFFF, v21;
	v9 =	vsub.f32 v9, v19  }
0x124: {  	v11 =	vld.idx.msk [tilespmem:v11+s13+$0x0], $0xffff;
	v15 =	vadd.f32 v21, v15  }
0x125: {  	v12 =	vsub.f32 v13, v12;
	v9 =	vand.u32 $0x7FFFFFFF, v9  }
0x126: {  	v5 =	vadd.s32 $0x6, v5;
	v6 =	vld.idx.msk [tilespmem:v6+s13+$0x0], $0xffff;
	v9 =	vadd.f32 v9, v15  }
0x127: {  	v13 =	vld.idx.msk [tilespmem:v14+s11+$0x0], $0xffff;
	v5 =	vand.u32 $0x7F, v5;
	v12 =	vand.u32 $0x7FFFFFFF, v12;
	v10 =	vsub.f32 v10, v18  }
0x128: {  	v14 =	vld.idx.msk [tilespmem:v14+s13+$0x0], $0xffff;
	v5 =	vor.u32 v3, v5;
	v9 =	vadd.f32 v12, v9  }
0x129: {  	v8 =	vsub.f32 v8, v11;
	v11 =	vld.idx.msk [tilespmem:v16+s13+$0x0], $0xffff;
	v10 =	vand.u32 $0x7FFFFFFF, v10  }
0x12a: {  	v15 =	vor.u32 v3, v20;
	v12 =	vld.idx.msk [tilespmem:v16+s11+$0x0], $0xffff;
	v9 =	vadd.f32 v10, v9  }
0x12b: {  	v6 =	vsub.f32 v7, v6;
	v7 =	vand.u32 $0x7FFFFFFF, v8;
	v8 =	vld.idx.msk [tilespmem:v17+s13+$0x0], $0xffff  }
0x12c: {  	v10 =	vld.idx.msk [tilespmem:v17+s11+$0x0], $0xffff;
	v7 =	vadd.f32 v7, v9  }
0x12d: {  	v13 =	vsub.f32 v13, v14;
	v6 =	vand.u32 $0x7FFFFFFF, v6;
	v9 =	vld.idx.msk [tilespmem:v5+s11+$0x0], $0xffff  }
0x12e: {  	v5 =	vld.idx.msk [tilespmem:v5+s13+$0x0], $0xffff;
	v6 =	vadd.f32 v6, v7  }
0x12f: {  	v11 =	vsub.f32 v12, v11;
	v12 =	vand.u32 $0x7FFFFFFF, v13;
	v13 =	vld.idx.msk [tilespmem:v15+s11+$0x0], $0xffff  }
0x130: {  	v7 =	vld.idx.msk [tilespmem:v15+s13+$0x0], $0xffff;
	v6 =	vadd.f32 v12, v6  }
0x131: {  	v8 =	vsub.f32 v10, v8;
	v10 =	vand.u32 $0x7FFFFFFF, v11  }
0x132: {  	v6 =	vadd.f32 v10, v6  }
0x133: {  	v8 =	vand.u32 $0x7FFFFFFF, v8;
	v5 =	vsub.f32 v9, v5  }
0x134: {  	v6 =	vadd.f32 v8, v6  }
0x135: {  	v7 =	vsub.f32 v13, v7;
	v5 =	vand.u32 $0x7FFFFFFF, v5  }
0x136: {  	v5 =	vadd.f32 v5, v6  }
0x137: {  	v6 =	vand.u32 $0x7FFFFFFF, v7;
	v7 =	vlaneseq.u32  }
0x138: {  	v8 =	vor.u32 v4, v7;
	v9 =	vadd.s32 $0x1, v7;
	v5 =	vadd.f32 v6, v5  }
0x139: {  	v9 =	vand.u32 $0x7F, v9  }
0x13a: {  	v12 =	vadd.s32 $0x5, v7;
	v9 =	vor.u32 v4, v9;
	v5 =	vsub.f32 $1.200000000e+01, v5  }
0x13b: {  	v12 =	vand.u32 $0x7F, v12  }
0x13c: {  	v6 =	vadd.s32 $0x2, v7;
	v12 =	vor.u32 v4, v12;
	[tilespmem:$0xC320] =	vst v5  }
0x13d: {  	v10 =	vadd.s32 $0x3, v7;
	v6 =	vand.u32 $0x7F, v6;
	v11 =	vld.idx.msk [tilespmem:v8+s11+$0x0], $0xffff  }
0x13e: {  	v10 =	vand.u32 $0x7F, v10;
	v6 =	vor.u32 v4, v6;
	v8 =	vld.idx.msk [tilespmem:v8+s13+$0x0], $0xffff  }
0x13f: {  	v5 =	vor.u32 v4, v10;
	v13 =	vld.idx.msk [tilespmem:v9+s11+$0x0], $0xffff  }
0x140: {  	v10 =	vadd.s32 $0x4, v7;
	v16 =	vld.idx.msk [tilespmem:v9+s13+$0x0], $0xffff  }
0x141: {  	v10 =	vand.u32 $0x7F, v10;
	v21 =	vld.idx.msk [tilespmem:v12+s11+$0x0], $0xffff  }
0x142: {  	v15 =	vadd.s32 $0x6, v7;
	v10 =	vor.u32 v4, v10;
	v22 =	vld.idx.msk [tilespmem:v12+s13+$0x0], $0xffff  }
0x143: {  	v15 =	vand.u32 $0x7F, v15;
	v9 =	vadd.s32 $0x7, v7;
	v17 =	vld.idx.msk [tilespmem:v6+s11+$0x0], $0xffff  }
0x144: {  	v20 =	vor.u32 v4, v15;
	v9 =	vand.u32 $0x7F, v9;
	v14 =	vld.idx.msk [tilespmem:v5+s11+$0x0], $0xffff  }
0x145: {  	v19 =	vld.idx.msk [tilespmem:v5+s13+$0x0], $0xffff;
	v5 =	vadd.s32 $0x8, v7;
	v7 =	vor.u32 v4, v9  }
0x146: {  	v24 =	vld.idx.msk [tilespmem:v6+s13+$0x0], $0xffff;
	v5 =	vand.u32 $0x7F, v5  }
0x147: {  	v18 =	vld.idx.msk [tilespmem:v10+s11+$0x0], $0xffff;
	v9 =	vadd.s32 $0x2, v5  }
0x148: {  	v8 =	vsub.f32 v11, v8;
	v23 =	vld.idx.msk [tilespmem:v10+s13+$0x0], $0xffff;
	v25 =	vor.u32 v4, v5;
	v9 =	vand.u32 $0x7F, v9  }
0x149: {  	v26 =	vimm.f32 $0.0e+00;
	v10 =	vadd.s32 $0x1, v5;
	v6 =	vor.u32 v4, v9;
	v9 =	vld.idx.msk [tilespmem:v20+s11+$0x0], $0xffff  }
0x14a: {  	v10 =	vand.u32 $0x7F, v10;
	v27 =	vand.u32 $0x7FFFFFFF, v8;
	v8 =	vadd.s32 $0x3, v5;
	v12 =	vld.idx.msk [tilespmem:v7+s13+$0x0], $0xffff  }
0x14b: {  	v28 =	vsub.f32 v13, v16;
	v11 =	vor.u32 v4, v10;
	v13 =	vld.idx.msk [tilespmem:v7+s11+$0x0], $0xffff;
	v7 =	vand.u32 $0x7F, v8  }
0x14c: {  	v15 =	vsub.f32 v14, v19;
	v8 =	vadd.s32 $0x4, v5;
	v19 =	vld.idx.msk [tilespmem:v20+s13+$0x0], $0xffff;
	v14 =	vor.u32 v4, v7  }
0x14d: {  	v29 =	vadd.s32 $0x7, v5;
	v21 =	vsub.f32 v21, v22;
	v8 =	vand.u32 $0x7F, v8;
	v10 =	vld.idx.msk [tilespmem:v25+s11+$0x0], $0xffff  }
0x14e: {  	v20 =	vadd.s32 $0x5, v5;
	v16 =	vor.u32 v4, v8;
	v23 =	vsub.f32 v18, v23;
	v18 =	vld.idx.msk [tilespmem:v25+s13+$0x0], $0xffff  }
0x14f: {  	v22 =	vsub.f32 v17, v24;
	v24 =	vadd.f32 v27, v26;
	v17 =	vand.u32 $0x7F, v20;
	v7 =	vld.idx.msk [tilespmem:v6+s11+$0x0], $0xffff  }
0x150: {  	s26 =	simm.s32 $0x8;
	v20 =	vand.u32 $0x7F, v29;
	v17 =	vor.u32 v4, v17;
	v25 =	vand.u32 $0x7FFFFFFF, v28;
	v8 =	vld.idx.msk [tilespmem:v11+s11+$0x0], $0xffff  }
.LBB2_8:
0x151: {  	s26 =	sadd.s32 $0x8, s26;
	v26 =	vld.idx.msk [tilespmem:v14+s11+$0x0], $0xffff;
	v27 =	vadd.s32 $0x6, v5;
	v24 =	vadd.f32 v25, v24;
	v22 =	vand.u32 $0x7FFFFFFF, v22  }
0x152: {  	v23 =	vand.u32 $0x7FFFFFFF, v23;
	v21 =	vand.u32 $0x7FFFFFFF, v21;
	p0 =	slt.u32 s26, $0x78;
	v25 =	vld.idx.msk [tilespmem:v11+s13+$0x0], $0xffff;
	v11 =	vand.u32 $0x7F, v27  }
0x153: {  	v5 =	vadd.s32 $0x8, v5;
	v9 =	vsub.f32 v9, v19;
	v27 =	vld.idx.msk [tilespmem:v16+s11+$0x0], $0xffff;
	v22 =	vadd.f32 v22, v24  }
0x154: {  	v19 =	vor.u32 v4, v11;
	v11 =	vand.u32 $0x7FFFFFFF, v15;
	v24 =	vsub.f32 v13, v12;
	v14 =	vld.idx.msk [tilespmem:v14+s13+$0x0], $0xffff  }
0x155: {  	v5 =	vand.u32 $0x7F, v5;
	v13 =	vor.u32 v4, v20;
	v28 =	vld.idx.msk [tilespmem:v16+s13+$0x0], $0xffff;
	v11 =	vadd.f32 v11, v22  }
0x156: {  	v20 =	vor.u32 v4, v5;
	v12 =	vadd.s32 $0x1, v5;
	v10 =	vsub.f32 v10, v18;
	v16 =	vld.idx.msk [tilespmem:v17+s11+$0x0], $0xffff  }
0x157: {  	v15 =	vadd.s32 $0x2, v5;
	v12 =	vand.u32 $0x7F, v12;
	v17 =	vld.idx.msk [tilespmem:v17+s13+$0x0], $0xffff;
	v18 =	vadd.f32 v23, v11  }
0x158: {  	v11 =	vor.u32 v4, v12;
	v12 =	vand.u32 $0x7F, v15;
	v23 =	vand.u32 $0x7FFFFFFF, v9;
	v22 =	vld.idx.msk [tilespmem:v6+s13+$0x0], $0xffff  }
0x159: {  	v29 =	vand.u32 $0x7FFFFFFF, v10;
	v6 =	vor.u32 v4, v12;
	v9 =	vld.idx.msk [tilespmem:v19+s11+$0x0], $0xffff;
	v10 =	vadd.f32 v21, v18  }
0x15a: {  	v25 =	vsub.f32 v8, v25;
	v18 =	vadd.s32 $0x3, v5;
	v15 =	vsub.f32 v26, v14;
	v12 =	vld.idx.msk [tilespmem:v13+s13+$0x0], $0xffff  }
0x15b: {  	v26 =	vadd.s32 $0x7, v5;
	v8 =	vand.u32 $0x7F, v18;
	v13 =	vld.idx.msk [tilespmem:v13+s11+$0x0], $0xffff;
	v18 =	vadd.f32 v23, v10  }
.Ltmp3:
0x15c: {  	v14 =	vor.u32 v4, v8;
	v8 =	vadd.s32 $0x4, v5;
	v23 =	vand.u32 $0x7FFFFFFF, v24;
	v10 =	vld.idx.msk [tilespmem:v20+s11+$0x0], $0xffff;
	(pc) =	sbr.rel @p0 .LBB2_8-.Ltmp3, $4  }
0x15d: {  	v8 =	vand.u32 $0x7F, v8;
	v21 =	vsub.f32 v16, v17;
	v19 =	vld.idx.msk [tilespmem:v19+s13+$0x0], $0xffff;
	v17 =	vadd.f32 v23, v18  }
0x15e: {  	v16 =	vor.u32 v4, v8;
	v18 =	vadd.s32 $0x5, v5;
	v22 =	vsub.f32 v7, v22;
	v7 =	vld.idx.msk [tilespmem:v6+s11+$0x0], $0xffff  }
0x15f: {  	v23 =	vsub.f32 v27, v28;
	v30 =	vand.u32 $0x7F, v18;
	v8 =	vld.idx.msk [tilespmem:v11+s11+$0x0], $0xffff;
	v24 =	vadd.f32 v29, v17  }
0x160: {  	v25 =	vand.u32 $0x7FFFFFFF, v25;
	v17 =	vor.u32 v4, v30;
	v18 =	vld.idx.msk [tilespmem:v20+s13+$0x0], $0xffff;
	v20 =	vand.u32 $0x7F, v26  }
0x161: {  	v24 =	vadd.f32 v25, v24  }
0x162: {  	v22 =	vand.u32 $0x7FFFFFFF, v22  }
0x163: {  	v22 =	vadd.f32 v22, v24  }
0x164: {  	v15 =	vand.u32 $0x7FFFFFFF, v15  }
0x165: {  	v15 =	vadd.f32 v15, v22  }
0x166: {  	v22 =	vand.u32 $0x7FFFFFFF, v23  }
0x167: {  	v15 =	vadd.f32 v22, v15  }
0x168: {  	v21 =	vand.u32 $0x7FFFFFFF, v21;
	v9 =	vsub.f32 v9, v19  }
0x169: {  	v11 =	vld.idx.msk [tilespmem:v11+s13+$0x0], $0xffff;
	v15 =	vadd.f32 v21, v15  }
0x16a: {  	v12 =	vsub.f32 v13, v12;
	v9 =	vand.u32 $0x7FFFFFFF, v9  }
0x16b: {  	v5 =	vadd.s32 $0x6, v5;
	v6 =	vld.idx.msk [tilespmem:v6+s13+$0x0], $0xffff;
	v9 =	vadd.f32 v9, v15  }
0x16c: {  	v13 =	vld.idx.msk [tilespmem:v14+s11+$0x0], $0xffff;
	v5 =	vand.u32 $0x7F, v5;
	v12 =	vand.u32 $0x7FFFFFFF, v12;
	v10 =	vsub.f32 v10, v18  }
0x16d: {  	v14 =	vld.idx.msk [tilespmem:v14+s13+$0x0], $0xffff;
	v5 =	vor.u32 v4, v5;
	v9 =	vadd.f32 v12, v9  }
0x16e: {  	v8 =	vsub.f32 v8, v11;
	v11 =	vld.idx.msk [tilespmem:v16+s13+$0x0], $0xffff;
	v10 =	vand.u32 $0x7FFFFFFF, v10  }
0x16f: {  	v15 =	vor.u32 v4, v20;
	v12 =	vld.idx.msk [tilespmem:v16+s11+$0x0], $0xffff;
	v9 =	vadd.f32 v10, v9  }
0x170: {  	v6 =	vsub.f32 v7, v6;
	v7 =	vand.u32 $0x7FFFFFFF, v8;
	v8 =	vld.idx.msk [tilespmem:v17+s13+$0x0], $0xffff  }
0x171: {  	v10 =	vld.idx.msk [tilespmem:v17+s11+$0x0], $0xffff;
	v7 =	vadd.f32 v7, v9  }
0x172: {  	v13 =	vsub.f32 v13, v14;
	v6 =	vand.u32 $0x7FFFFFFF, v6;
	v9 =	vld.idx.msk [tilespmem:v5+s11+$0x0], $0xffff  }
0x173: {  	v5 =	vld.idx.msk [tilespmem:v5+s13+$0x0], $0xffff;
	v6 =	vadd.f32 v6, v7  }
0x174: {  	v11 =	vsub.f32 v12, v11;
	v12 =	vand.u32 $0x7FFFFFFF, v13;
	v13 =	vld.idx.msk [tilespmem:v15+s11+$0x0], $0xffff  }
0x175: {  	v7 =	vld.idx.msk [tilespmem:v15+s13+$0x0], $0xffff;
	v6 =	vadd.f32 v12, v6  }
0x176: {  	v8 =	vsub.f32 v10, v8;
	v10 =	vand.u32 $0x7FFFFFFF, v11  }
0x177: {  	v6 =	vadd.f32 v10, v6  }
0x178: {  	v8 =	vand.u32 $0x7FFFFFFF, v8;
	v5 =	vsub.f32 v9, v5  }
0x179: {  	v6 =	vadd.f32 v8, v6  }
0x17a: {  	v7 =	vsub.f32 v13, v7;
	v5 =	vand.u32 $0x7FFFFFFF, v5  }
0x17b: {  	v5 =	vadd.f32 v5, v6  }
0x17c: {  	v6 =	vand.u32 $0x7FFFFFFF, v7  }
0x17d: {  	v5 =	vadd.f32 v6, v5;
	_ =	sdelay $0x1  }
0x17e: {  	v5 =	vsub.f32 $1.200000000e+01, v5;
	_ =	sdelay $0x1  }
0x17f: {  	[tilespmem:$0xC330] =	vst v5  }
0x180: {  	v5 =	vlaneseq.u32;
	_ =	swait.ge [sflag:s23], $0x2000  }
0x181: {  	v6 =	vadd.s32 $0x2, v5;
	v7 =	vor.u32 v1, v5;
	[sflag:s23] =	ssyncset.done $0x0  }
0x182: {  	v8 =	vadd.s32 $0x1, v5;
	v6 =	vand.u32 $0x7F, v6;
	[sflag:s23] =	ssyncadd.s32 $0xFFFFE000  }
0x183: {  	v9 =	vadd.s32 $0x3, v5;
	v8 =	vand.u32 $0x7F, v8;
	v6 =	vor.u32 v1, v6;
	_ =	swait.ge [sflag:s23], $0x2000  }
0x184: {  	v9 =	vand.u32 $0x7F, v9;
	v8 =	vor.u32 v1, v8;
	[sflag:s23] =	ssyncset.done $0x0  }
0x185: {  	v10 =	vadd.s32 $0x4, v5;
	v9 =	vor.u32 v1, v9;
	[sflag:s23] =	ssyncadd.s32 $0xFFFFE000  }
0x186: {  	v10 =	vand.u32 $0x7F, v10;
	v11 =	vld.idx.msk [tilespmem:v7+s15+$0x0], $0xffff  }
0x187: {  	v10 =	vor.u32 v1, v10;
	v7 =	vld.idx.msk [tilespmem:v7+s17+$0x0], $0xffff  }
0x188: {  	v12 =	vadd.s32 $0x5, v5;
	v17 =	vld.idx.msk [tilespmem:v6+s15+$0x0], $0xffff  }
0x189: {  	v12 =	vand.u32 $0x7F, v12;
	v13 =	vld.idx.msk [tilespmem:v8+s15+$0x0], $0xffff  }
0x18a: {  	v12 =	vor.u32 v1, v12;
	v14 =	vld.idx.msk [tilespmem:v9+s15+$0x0], $0xffff  }
0x18b: {  	v15 =	vadd.s32 $0x6, v5;
	v8 =	vld.idx.msk [tilespmem:v8+s17+$0x0], $0xffff  }
0x18c: {  	v16 =	vadd.s32 $0x7, v5;
	v15 =	vand.u32 $0x7F, v15;
	v18 =	vld.idx.msk [tilespmem:v10+s15+$0x0], $0xffff  }
0x18d: {  	v16 =	vand.u32 $0x7F, v16;
	v20 =	vor.u32 v1, v15;
	v19 =	vld.idx.msk [tilespmem:v9+s17+$0x0], $0xffff  }
0x18e: {  	v5 =	vadd.s32 $0x8, v5;
	v23 =	vld.idx.msk [tilespmem:v10+s17+$0x0], $0xffff;
	v10 =	vor.u32 v1, v16  }
0x18f: {  	v5 =	vand.u32 $0x7F, v5;
	v16 =	vld.idx.msk [tilespmem:v12+s15+$0x0], $0xffff  }
0x190: {  	v25 =	vor.u32 v1, v5;
	v9 =	vadd.s32 $0x2, v5;
	v21 =	vld.idx.msk [tilespmem:v12+s17+$0x0], $0xffff  }
0x191: {  	v22 =	vld.idx.msk [tilespmem:v6+s17+$0x0], $0xffff;
	v9 =	vand.u32 $0x7F, v9;
	v7 =	vsub.f32 v11, v7  }
0x192: {  	v24 =	vimm.f32 $0.0e+00;
	v12 =	vadd.s32 $0x1, v5;
	v6 =	vor.u32 v1, v9;
	v9 =	vld.idx.msk [tilespmem:v20+s15+$0x0], $0xffff  }
0x193: {  	v11 =	vand.u32 $0x7F, v12;
	v12 =	vld.idx.msk [tilespmem:v10+s17+$0x0], $0xffff;
	v26 =	vand.u32 $0x7FFFFFFF, v7;
	v7 =	vadd.s32 $0x3, v5  }
0x194: {  	v11 =	vor.u32 v1, v11;
	v27 =	vsub.f32 v13, v8;
	v13 =	vld.idx.msk [tilespmem:v10+s15+$0x0], $0xffff;
	v7 =	vand.u32 $0x7F, v7  }
0x195: {  	v15 =	vsub.f32 v14, v19;
	v10 =	vld.idx.msk [tilespmem:v25+s15+$0x0], $0xffff;
	v8 =	vadd.s32 $0x4, v5;
	v14 =	vor.u32 v1, v7  }
0x196: {  	v28 =	vadd.s32 $0x7, v5;
	v21 =	vsub.f32 v16, v21;
	v19 =	vld.idx.msk [tilespmem:v20+s17+$0x0], $0xffff;
	v8 =	vand.u32 $0x7F, v8  }
0x197: {  	v20 =	vadd.s32 $0x5, v5;
	v23 =	vsub.f32 v18, v23;
	v18 =	vld.idx.msk [tilespmem:v25+s17+$0x0], $0xffff;
	v16 =	vor.u32 v1, v8  }
0x198: {  	v22 =	vsub.f32 v17, v22;
	v17 =	vand.u32 $0x7F, v20;
	v24 =	vadd.f32 v26, v24;
	v7 =	vld.idx.msk [tilespmem:v6+s15+$0x0], $0xffff  }
0x199: {  	s26 =	simm.s32 $0x8;
	v20 =	vand.u32 $0x7F, v28;
	v17 =	vor.u32 v1, v17;
	v25 =	vand.u32 $0x7FFFFFFF, v27;
	v8 =	vld.idx.msk [tilespmem:v11+s15+$0x0], $0xffff  }
.LBB2_10:
0x19a: {  	s26 =	sadd.s32 $0x8, s26;
	v26 =	vld.idx.msk [tilespmem:v14+s15+$0x0], $0xffff;
	v27 =	vadd.s32 $0x6, v5;
	v24 =	vadd.f32 v25, v24;
	v22 =	vand.u32 $0x7FFFFFFF, v22  }
0x19b: {  	v23 =	vand.u32 $0x7FFFFFFF, v23;
	v21 =	vand.u32 $0x7FFFFFFF, v21;
	p0 =	slt.u32 s26, $0x78;
	v25 =	vld.idx.msk [tilespmem:v11+s17+$0x0], $0xffff;
	v11 =	vand.u32 $0x7F, v27  }
0x19c: {  	v5 =	vadd.s32 $0x8, v5;
	v9 =	vsub.f32 v9, v19;
	v27 =	vld.idx.msk [tilespmem:v16+s15+$0x0], $0xffff;
	v22 =	vadd.f32 v22, v24  }
0x19d: {  	v19 =	vor.u32 v1, v11;
	v11 =	vand.u32 $0x7FFFFFFF, v15;
	v24 =	vsub.f32 v13, v12;
	v14 =	vld.idx.msk [tilespmem:v14+s17+$0x0], $0xffff  }
0x19e: {  	v5 =	vand.u32 $0x7F, v5;
	v13 =	vor.u32 v1, v20;
	v28 =	vld.idx.msk [tilespmem:v16+s17+$0x0], $0xffff;
	v11 =	vadd.f32 v11, v22  }
0x19f: {  	v20 =	vor.u32 v1, v5;
	v12 =	vadd.s32 $0x1, v5;
	v10 =	vsub.f32 v10, v18;
	v16 =	vld.idx.msk [tilespmem:v17+s15+$0x0], $0xffff  }
0x1a0: {  	v15 =	vadd.s32 $0x2, v5;
	v12 =	vand.u32 $0x7F, v12;
	v17 =	vld.idx.msk [tilespmem:v17+s17+$0x0], $0xffff;
	v18 =	vadd.f32 v23, v11  }
0x1a1: {  	v11 =	vor.u32 v1, v12;
	v12 =	vand.u32 $0x7F, v15;
	v23 =	vand.u32 $0x7FFFFFFF, v9;
	v22 =	vld.idx.msk [tilespmem:v6+s17+$0x0], $0xffff  }
0x1a2: {  	v29 =	vand.u32 $0x7FFFFFFF, v10;
	v6 =	vor.u32 v1, v12;
	v9 =	vld.idx.msk [tilespmem:v19+s15+$0x0], $0xffff;
	v10 =	vadd.f32 v21, v18  }
0x1a3: {  	v25 =	vsub.f32 v8, v25;
	v18 =	vadd.s32 $0x3, v5;
	v15 =	vsub.f32 v26, v14;
	v12 =	vld.idx.msk [tilespmem:v13+s17+$0x0], $0xffff  }
0x1a4: {  	v26 =	vadd.s32 $0x7, v5;
	v8 =	vand.u32 $0x7F, v18;
	v13 =	vld.idx.msk [tilespmem:v13+s15+$0x0], $0xffff;
	v18 =	vadd.f32 v23, v10  }
.Ltmp4:
0x1a5: {  	v14 =	vor.u32 v1, v8;
	v8 =	vadd.s32 $0x4, v5;
	v23 =	vand.u32 $0x7FFFFFFF, v24;
	v10 =	vld.idx.msk [tilespmem:v20+s15+$0x0], $0xffff;
	(pc) =	sbr.rel @p0 .LBB2_10-.Ltmp4, $4  }
0x1a6: {  	v8 =	vand.u32 $0x7F, v8;
	v21 =	vsub.f32 v16, v17;
	v19 =	vld.idx.msk [tilespmem:v19+s17+$0x0], $0xffff;
	v17 =	vadd.f32 v23, v18  }
0x1a7: {  	v16 =	vor.u32 v1, v8;
	v18 =	vadd.s32 $0x5, v5;
	v22 =	vsub.f32 v7, v22;
	v7 =	vld.idx.msk [tilespmem:v6+s15+$0x0], $0xffff  }
0x1a8: {  	v23 =	vsub.f32 v27, v28;
	v30 =	vand.u32 $0x7F, v18;
	v8 =	vld.idx.msk [tilespmem:v11+s15+$0x0], $0xffff;
	v24 =	vadd.f32 v29, v17  }
0x1a9: {  	v25 =	vand.u32 $0x7FFFFFFF, v25;
	v17 =	vor.u32 v1, v30;
	v18 =	vld.idx.msk [tilespmem:v20+s17+$0x0], $0xffff;
	v20 =	vand.u32 $0x7F, v26  }
0x1aa: {  	v24 =	vadd.f32 v25, v24  }
0x1ab: {  	v22 =	vand.u32 $0x7FFFFFFF, v22  }
0x1ac: {  	v22 =	vadd.f32 v22, v24  }
0x1ad: {  	v15 =	vand.u32 $0x7FFFFFFF, v15  }
0x1ae: {  	v15 =	vadd.f32 v15, v22  }
0x1af: {  	v22 =	vand.u32 $0x7FFFFFFF, v23  }
0x1b0: {  	v15 =	vadd.f32 v22, v15  }
0x1b1: {  	v21 =	vand.u32 $0x7FFFFFFF, v21;
	v9 =	vsub.f32 v9, v19  }
0x1b2: {  	v11 =	vld.idx.msk [tilespmem:v11+s17+$0x0], $0xffff;
	v15 =	vadd.f32 v21, v15  }
0x1b3: {  	v12 =	vsub.f32 v13, v12;
	v9 =	vand.u32 $0x7FFFFFFF, v9  }
0x1b4: {  	v5 =	vadd.s32 $0x6, v5;
	v6 =	vld.idx.msk [tilespmem:v6+s17+$0x0], $0xffff;
	v9 =	vadd.f32 v9, v15  }
0x1b5: {  	v13 =	vld.idx.msk [tilespmem:v14+s15+$0x0], $0xffff;
	v5 =	vand.u32 $0x7F, v5;
	v12 =	vand.u32 $0x7FFFFFFF, v12;
	v10 =	vsub.f32 v10, v18  }
0x1b6: {  	v14 =	vld.idx.msk [tilespmem:v14+s17+$0x0], $0xffff;
	v5 =	vor.u32 v1, v5;
	v9 =	vadd.f32 v12, v9  }
0x1b7: {  	v8 =	vsub.f32 v8, v11;
	v11 =	vld.idx.msk [tilespmem:v16+s17+$0x0], $0xffff;
	v10 =	vand.u32 $0x7FFFFFFF, v10  }
0x1b8: {  	v15 =	vor.u32 v1, v20;
	v12 =	vld.idx.msk [tilespmem:v16+s15+$0x0], $0xffff;
	v9 =	vadd.f32 v10, v9  }
0x1b9: {  	v6 =	vsub.f32 v7, v6;
	v7 =	vand.u32 $0x7FFFFFFF, v8;
	v8 =	vld.idx.msk [tilespmem:v17+s17+$0x0], $0xffff  }
0x1ba: {  	v10 =	vld.idx.msk [tilespmem:v17+s15+$0x0], $0xffff;
	v7 =	vadd.f32 v7, v9  }
0x1bb: {  	v13 =	vsub.f32 v13, v14;
	v6 =	vand.u32 $0x7FFFFFFF, v6;
	v9 =	vld.idx.msk [tilespmem:v5+s15+$0x0], $0xffff  }
0x1bc: {  	v5 =	vld.idx.msk [tilespmem:v5+s17+$0x0], $0xffff;
	v6 =	vadd.f32 v6, v7  }
0x1bd: {  	v11 =	vsub.f32 v12, v11;
	v12 =	vand.u32 $0x7FFFFFFF, v13;
	v13 =	vld.idx.msk [tilespmem:v15+s15+$0x0], $0xffff  }
0x1be: {  	v7 =	vld.idx.msk [tilespmem:v15+s17+$0x0], $0xffff;
	v6 =	vadd.f32 v12, v6  }
0x1bf: {  	v8 =	vsub.f32 v10, v8;
	v10 =	vand.u32 $0x7FFFFFFF, v11  }
0x1c0: {  	v6 =	vadd.f32 v10, v6  }
0x1c1: {  	v8 =	vand.u32 $0x7FFFFFFF, v8;
	v5 =	vsub.f32 v9, v5  }
0x1c2: {  	v6 =	vadd.f32 v8, v6  }
0x1c3: {  	v7 =	vsub.f32 v13, v7;
	v5 =	vand.u32 $0x7FFFFFFF, v5  }
0x1c4: {  	v5 =	vadd.f32 v5, v6  }
0x1c5: {  	v6 =	vand.u32 $0x7FFFFFFF, v7;
	v7 =	vlaneseq.u32  }
0x1c6: {  	v8 =	vor.u32 v2, v7;
	v9 =	vadd.s32 $0x1, v7;
	v5 =	vadd.f32 v6, v5  }
0x1c7: {  	v9 =	vand.u32 $0x7F, v9  }
0x1c8: {  	v12 =	vadd.s32 $0x5, v7;
	v9 =	vor.u32 v2, v9;
	v5 =	vsub.f32 $1.200000000e+01, v5  }
0x1c9: {  	v12 =	vand.u32 $0x7F, v12  }
0x1ca: {  	v6 =	vadd.s32 $0x2, v7;
	v12 =	vor.u32 v2, v12;
	[tilespmem:$0xC340] =	vst v5  }
0x1cb: {  	v10 =	vadd.s32 $0x3, v7;
	v6 =	vand.u32 $0x7F, v6;
	v11 =	vld.idx.msk [tilespmem:v8+s15+$0x0], $0xffff  }
0x1cc: {  	v10 =	vand.u32 $0x7F, v10;
	v6 =	vor.u32 v2, v6;
	v8 =	vld.idx.msk [tilespmem:v8+s17+$0x0], $0xffff  }
0x1cd: {  	v5 =	vor.u32 v2, v10;
	v13 =	vld.idx.msk [tilespmem:v9+s15+$0x0], $0xffff  }
0x1ce: {  	v10 =	vadd.s32 $0x4, v7;
	v16 =	vld.idx.msk [tilespmem:v9+s17+$0x0], $0xffff  }
0x1cf: {  	v10 =	vand.u32 $0x7F, v10;
	v21 =	vld.idx.msk [tilespmem:v12+s15+$0x0], $0xffff  }
0x1d0: {  	v15 =	vadd.s32 $0x6, v7;
	v10 =	vor.u32 v2, v10;
	v22 =	vld.idx.msk [tilespmem:v12+s17+$0x0], $0xffff  }
0x1d1: {  	v15 =	vand.u32 $0x7F, v15;
	v9 =	vadd.s32 $0x7, v7;
	v17 =	vld.idx.msk [tilespmem:v6+s15+$0x0], $0xffff  }
0x1d2: {  	v20 =	vor.u32 v2, v15;
	v9 =	vand.u32 $0x7F, v9;
	v14 =	vld.idx.msk [tilespmem:v5+s15+$0x0], $0xffff  }
0x1d3: {  	v19 =	vld.idx.msk [tilespmem:v5+s17+$0x0], $0xffff;
	v5 =	vadd.s32 $0x8, v7;
	v7 =	vor.u32 v2, v9  }
0x1d4: {  	v24 =	vld.idx.msk [tilespmem:v6+s17+$0x0], $0xffff;
	v5 =	vand.u32 $0x7F, v5  }
0x1d5: {  	v18 =	vld.idx.msk [tilespmem:v10+s15+$0x0], $0xffff;
	v9 =	vadd.s32 $0x2, v5  }
0x1d6: {  	v8 =	vsub.f32 v11, v8;
	v23 =	vld.idx.msk [tilespmem:v10+s17+$0x0], $0xffff;
	v25 =	vor.u32 v2, v5;
	v9 =	vand.u32 $0x7F, v9  }
0x1d7: {  	v26 =	vimm.f32 $0.0e+00;
	v10 =	vadd.s32 $0x1, v5;
	v6 =	vor.u32 v2, v9;
	v9 =	vld.idx.msk [tilespmem:v20+s15+$0x0], $0xffff  }
0x1d8: {  	v10 =	vand.u32 $0x7F, v10;
	v27 =	vand.u32 $0x7FFFFFFF, v8;
	v8 =	vadd.s32 $0x3, v5;
	v12 =	vld.idx.msk [tilespmem:v7+s17+$0x0], $0xffff  }
0x1d9: {  	v28 =	vsub.f32 v13, v16;
	v11 =	vor.u32 v2, v10;
	v13 =	vld.idx.msk [tilespmem:v7+s15+$0x0], $0xffff;
	v7 =	vand.u32 $0x7F, v8  }
0x1da: {  	v15 =	vsub.f32 v14, v19;
	v8 =	vadd.s32 $0x4, v5;
	v19 =	vld.idx.msk [tilespmem:v20+s17+$0x0], $0xffff;
	v14 =	vor.u32 v2, v7  }
0x1db: {  	v29 =	vadd.s32 $0x7, v5;
	v21 =	vsub.f32 v21, v22;
	v8 =	vand.u32 $0x7F, v8;
	v10 =	vld.idx.msk [tilespmem:v25+s15+$0x0], $0xffff  }
0x1dc: {  	v20 =	vadd.s32 $0x5, v5;
	v16 =	vor.u32 v2, v8;
	v23 =	vsub.f32 v18, v23;
	v18 =	vld.idx.msk [tilespmem:v25+s17+$0x0], $0xffff  }
0x1dd: {  	v22 =	vsub.f32 v17, v24;
	v24 =	vadd.f32 v27, v26;
	v17 =	vand.u32 $0x7F, v20;
	v7 =	vld.idx.msk [tilespmem:v6+s15+$0x0], $0xffff  }
0x1de: {  	s26 =	simm.s32 $0x8;
	v20 =	vand.u32 $0x7F, v29;
	v17 =	vor.u32 v2, v17;
	v25 =	vand.u32 $0x7FFFFFFF, v28;
	v8 =	vld.idx.msk [tilespmem:v11+s15+$0x0], $0xffff  }
.LBB2_12:
0x1df: {  	s26 =	sadd.s32 $0x8, s26;
	v26 =	vld.idx.msk [tilespmem:v14+s15+$0x0], $0xffff;
	v27 =	vadd.s32 $0x6, v5;
	v24 =	vadd.f32 v25, v24;
	v22 =	vand.u32 $0x7FFFFFFF, v22  }
0x1e0: {  	v23 =	vand.u32 $0x7FFFFFFF, v23;
	v21 =	vand.u32 $0x7FFFFFFF, v21;
	p0 =	slt.u32 s26, $0x78;
	v25 =	vld.idx.msk [tilespmem:v11+s17+$0x0], $0xffff;
	v11 =	vand.u32 $0x7F, v27  }
0x1e1: {  	v5 =	vadd.s32 $0x8, v5;
	v9 =	vsub.f32 v9, v19;
	v27 =	vld.idx.msk [tilespmem:v16+s15+$0x0], $0xffff;
	v22 =	vadd.f32 v22, v24  }
0x1e2: {  	v19 =	vor.u32 v2, v11;
	v11 =	vand.u32 $0x7FFFFFFF, v15;
	v24 =	vsub.f32 v13, v12;
	v14 =	vld.idx.msk [tilespmem:v14+s17+$0x0], $0xffff  }
0x1e3: {  	v5 =	vand.u32 $0x7F, v5;
	v13 =	vor.u32 v2, v20;
	v28 =	vld.idx.msk [tilespmem:v16+s17+$0x0], $0xffff;
	v11 =	vadd.f32 v11, v22  }
0x1e4: {  	v20 =	vor.u32 v2, v5;
	v12 =	vadd.s32 $0x1, v5;
	v10 =	vsub.f32 v10, v18;
	v16 =	vld.idx.msk [tilespmem:v17+s15+$0x0], $0xffff  }
0x1e5: {  	v15 =	vadd.s32 $0x2, v5;
	v12 =	vand.u32 $0x7F, v12;
	v17 =	vld.idx.msk [tilespmem:v17+s17+$0x0], $0xffff;
	v18 =	vadd.f32 v23, v11  }
0x1e6: {  	v11 =	vor.u32 v2, v12;
	v12 =	vand.u32 $0x7F, v15;
	v23 =	vand.u32 $0x7FFFFFFF, v9;
	v22 =	vld.idx.msk [tilespmem:v6+s17+$0x0], $0xffff  }
0x1e7: {  	v29 =	vand.u32 $0x7FFFFFFF, v10;
	v6 =	vor.u32 v2, v12;
	v9 =	vld.idx.msk [tilespmem:v19+s15+$0x0], $0xffff;
	v10 =	vadd.f32 v21, v18  }
0x1e8: {  	v25 =	vsub.f32 v8, v25;
	v18 =	vadd.s32 $0x3, v5;
	v15 =	vsub.f32 v26, v14;
	v12 =	vld.idx.msk [tilespmem:v13+s17+$0x0], $0xffff  }
0x1e9: {  	v26 =	vadd.s32 $0x7, v5;
	v8 =	vand.u32 $0x7F, v18;
	v13 =	vld.idx.msk [tilespmem:v13+s15+$0x0], $0xffff;
	v18 =	vadd.f32 v23, v10  }
.Ltmp5:
0x1ea: {  	v14 =	vor.u32 v2, v8;
	v8 =	vadd.s32 $0x4, v5;
	v23 =	vand.u32 $0x7FFFFFFF, v24;
	v10 =	vld.idx.msk [tilespmem:v20+s15+$0x0], $0xffff;
	(pc) =	sbr.rel @p0 .LBB2_12-.Ltmp5, $4  }
0x1eb: {  	v8 =	vand.u32 $0x7F, v8;
	v21 =	vsub.f32 v16, v17;
	v19 =	vld.idx.msk [tilespmem:v19+s17+$0x0], $0xffff;
	v17 =	vadd.f32 v23, v18  }
0x1ec: {  	v16 =	vor.u32 v2, v8;
	v18 =	vadd.s32 $0x5, v5;
	v22 =	vsub.f32 v7, v22;
	v7 =	vld.idx.msk [tilespmem:v6+s15+$0x0], $0xffff  }
0x1ed: {  	v23 =	vsub.f32 v27, v28;
	v30 =	vand.u32 $0x7F, v18;
	v8 =	vld.idx.msk [tilespmem:v11+s15+$0x0], $0xffff;
	v24 =	vadd.f32 v29, v17  }
0x1ee: {  	v25 =	vand.u32 $0x7FFFFFFF, v25;
	v17 =	vor.u32 v2, v30;
	v18 =	vld.idx.msk [tilespmem:v20+s17+$0x0], $0xffff;
	v20 =	vand.u32 $0x7F, v26  }
0x1ef: {  	v24 =	vadd.f32 v25, v24  }
0x1f0: {  	v22 =	vand.u32 $0x7FFFFFFF, v22  }
0x1f1: {  	v22 =	vadd.f32 v22, v24  }
0x1f2: {  	v15 =	vand.u32 $0x7FFFFFFF, v15  }
0x1f3: {  	v15 =	vadd.f32 v15, v22  }
0x1f4: {  	v22 =	vand.u32 $0x7FFFFFFF, v23  }
0x1f5: {  	v15 =	vadd.f32 v22, v15  }
0x1f6: {  	v21 =	vand.u32 $0x7FFFFFFF, v21;
	v9 =	vsub.f32 v9, v19  }
0x1f7: {  	v11 =	vld.idx.msk [tilespmem:v11+s17+$0x0], $0xffff;
	v15 =	vadd.f32 v21, v15  }
0x1f8: {  	v12 =	vsub.f32 v13, v12;
	v9 =	vand.u32 $0x7FFFFFFF, v9  }
0x1f9: {  	v5 =	vadd.s32 $0x6, v5;
	v6 =	vld.idx.msk [tilespmem:v6+s17+$0x0], $0xffff;
	v9 =	vadd.f32 v9, v15  }
0x1fa: {  	v13 =	vld.idx.msk [tilespmem:v14+s15+$0x0], $0xffff;
	v5 =	vand.u32 $0x7F, v5;
	v12 =	vand.u32 $0x7FFFFFFF, v12;
	v10 =	vsub.f32 v10, v18  }
0x1fb: {  	v14 =	vld.idx.msk [tilespmem:v14+s17+$0x0], $0xffff;
	v5 =	vor.u32 v2, v5;
	v9 =	vadd.f32 v12, v9  }
0x1fc: {  	v8 =	vsub.f32 v8, v11;
	v11 =	vld.idx.msk [tilespmem:v16+s17+$0x0], $0xffff;
	v10 =	vand.u32 $0x7FFFFFFF, v10  }
0x1fd: {  	v15 =	vor.u32 v2, v20;
	v12 =	vld.idx.msk [tilespmem:v16+s15+$0x0], $0xffff;
	v9 =	vadd.f32 v10, v9  }
0x1fe: {  	v6 =	vsub.f32 v7, v6;
	v7 =	vand.u32 $0x7FFFFFFF, v8;
	v8 =	vld.idx.msk [tilespmem:v17+s17+$0x0], $0xffff  }
0x1ff: {  	v10 =	vld.idx.msk [tilespmem:v17+s15+$0x0], $0xffff;
	v7 =	vadd.f32 v7, v9  }
0x200: {  	v13 =	vsub.f32 v13, v14;
	v6 =	vand.u32 $0x7FFFFFFF, v6;
	v9 =	vld.idx.msk [tilespmem:v5+s15+$0x0], $0xffff  }
0x201: {  	v5 =	vld.idx.msk [tilespmem:v5+s17+$0x0], $0xffff;
	v6 =	vadd.f32 v6, v7  }
0x202: {  	v11 =	vsub.f32 v12, v11;
	v12 =	vand.u32 $0x7FFFFFFF, v13;
	v13 =	vld.idx.msk [tilespmem:v15+s15+$0x0], $0xffff  }
0x203: {  	v7 =	vld.idx.msk [tilespmem:v15+s17+$0x0], $0xffff;
	v6 =	vadd.f32 v12, v6  }
0x204: {  	v8 =	vsub.f32 v10, v8;
	v10 =	vand.u32 $0x7FFFFFFF, v11  }
0x205: {  	v6 =	vadd.f32 v10, v6  }
0x206: {  	v8 =	vand.u32 $0x7FFFFFFF, v8;
	v5 =	vsub.f32 v9, v5  }
0x207: {  	v6 =	vadd.f32 v8, v6  }
0x208: {  	v7 =	vsub.f32 v13, v7;
	v5 =	vand.u32 $0x7FFFFFFF, v5  }
0x209: {  	v5 =	vadd.f32 v5, v6  }
0x20a: {  	v6 =	vand.u32 $0x7FFFFFFF, v7;
	v7 =	vlaneseq.u32  }
0x20b: {  	v8 =	vor.u32 v3, v7;
	v9 =	vadd.s32 $0x1, v7;
	v5 =	vadd.f32 v6, v5  }
0x20c: {  	v9 =	vand.u32 $0x7F, v9  }
0x20d: {  	v12 =	vadd.s32 $0x5, v7;
	v9 =	vor.u32 v3, v9;
	v5 =	vsub.f32 $1.200000000e+01, v5  }
0x20e: {  	v12 =	vand.u32 $0x7F, v12  }
0x20f: {  	v6 =	vadd.s32 $0x2, v7;
	v12 =	vor.u32 v3, v12;
	[tilespmem:$0xC350] =	vst v5  }
0x210: {  	v10 =	vadd.s32 $0x3, v7;
	v6 =	vand.u32 $0x7F, v6;
	v11 =	vld.idx.msk [tilespmem:v8+s15+$0x0], $0xffff  }
0x211: {  	v10 =	vand.u32 $0x7F, v10;
	v6 =	vor.u32 v3, v6;
	v8 =	vld.idx.msk [tilespmem:v8+s17+$0x0], $0xffff  }
0x212: {  	v5 =	vor.u32 v3, v10;
	v13 =	vld.idx.msk [tilespmem:v9+s15+$0x0], $0xffff  }
0x213: {  	v10 =	vadd.s32 $0x4, v7;
	v16 =	vld.idx.msk [tilespmem:v9+s17+$0x0], $0xffff  }
0x214: {  	v10 =	vand.u32 $0x7F, v10;
	v21 =	vld.idx.msk [tilespmem:v12+s15+$0x0], $0xffff  }
0x215: {  	v15 =	vadd.s32 $0x6, v7;
	v10 =	vor.u32 v3, v10;
	v22 =	vld.idx.msk [tilespmem:v12+s17+$0x0], $0xffff  }
0x216: {  	v15 =	vand.u32 $0x7F, v15;
	v9 =	vadd.s32 $0x7, v7;
	v17 =	vld.idx.msk [tilespmem:v6+s15+$0x0], $0xffff  }
0x217: {  	v20 =	vor.u32 v3, v15;
	v9 =	vand.u32 $0x7F, v9;
	v14 =	vld.idx.msk [tilespmem:v5+s15+$0x0], $0xffff  }
0x218: {  	v19 =	vld.idx.msk [tilespmem:v5+s17+$0x0], $0xffff;
	v5 =	vadd.s32 $0x8, v7;
	v7 =	vor.u32 v3, v9  }
0x219: {  	v24 =	vld.idx.msk [tilespmem:v6+s17+$0x0], $0xffff;
	v5 =	vand.u32 $0x7F, v5  }
0x21a: {  	v18 =	vld.idx.msk [tilespmem:v10+s15+$0x0], $0xffff;
	v9 =	vadd.s32 $0x2, v5  }
0x21b: {  	v8 =	vsub.f32 v11, v8;
	v23 =	vld.idx.msk [tilespmem:v10+s17+$0x0], $0xffff;
	v25 =	vor.u32 v3, v5;
	v9 =	vand.u32 $0x7F, v9  }
0x21c: {  	v26 =	vimm.f32 $0.0e+00;
	v10 =	vadd.s32 $0x1, v5;
	v6 =	vor.u32 v3, v9;
	v9 =	vld.idx.msk [tilespmem:v20+s15+$0x0], $0xffff  }
0x21d: {  	v10 =	vand.u32 $0x7F, v10;
	v27 =	vand.u32 $0x7FFFFFFF, v8;
	v8 =	vadd.s32 $0x3, v5;
	v12 =	vld.idx.msk [tilespmem:v7+s17+$0x0], $0xffff  }
0x21e: {  	v28 =	vsub.f32 v13, v16;
	v11 =	vor.u32 v3, v10;
	v13 =	vld.idx.msk [tilespmem:v7+s15+$0x0], $0xffff;
	v7 =	vand.u32 $0x7F, v8  }
0x21f: {  	v15 =	vsub.f32 v14, v19;
	v8 =	vadd.s32 $0x4, v5;
	v19 =	vld.idx.msk [tilespmem:v20+s17+$0x0], $0xffff;
	v14 =	vor.u32 v3, v7  }
0x220: {  	v29 =	vadd.s32 $0x7, v5;
	v21 =	vsub.f32 v21, v22;
	v8 =	vand.u32 $0x7F, v8;
	v10 =	vld.idx.msk [tilespmem:v25+s15+$0x0], $0xffff  }
0x221: {  	v20 =	vadd.s32 $0x5, v5;
	v16 =	vor.u32 v3, v8;
	v23 =	vsub.f32 v18, v23;
	v18 =	vld.idx.msk [tilespmem:v25+s17+$0x0], $0xffff  }
0x222: {  	v22 =	vsub.f32 v17, v24;
	v24 =	vadd.f32 v27, v26;
	v17 =	vand.u32 $0x7F, v20;
	v7 =	vld.idx.msk [tilespmem:v6+s15+$0x0], $0xffff  }
0x223: {  	s26 =	simm.s32 $0x8;
	v20 =	vand.u32 $0x7F, v29;
	v17 =	vor.u32 v3, v17;
	v25 =	vand.u32 $0x7FFFFFFF, v28;
	v8 =	vld.idx.msk [tilespmem:v11+s15+$0x0], $0xffff  }
.LBB2_14:
0x224: {  	s26 =	sadd.s32 $0x8, s26;
	v26 =	vld.idx.msk [tilespmem:v14+s15+$0x0], $0xffff;
	v27 =	vadd.s32 $0x6, v5;
	v24 =	vadd.f32 v25, v24;
	v22 =	vand.u32 $0x7FFFFFFF, v22  }
0x225: {  	v23 =	vand.u32 $0x7FFFFFFF, v23;
	v21 =	vand.u32 $0x7FFFFFFF, v21;
	p0 =	slt.u32 s26, $0x78;
	v25 =	vld.idx.msk [tilespmem:v11+s17+$0x0], $0xffff;
	v11 =	vand.u32 $0x7F, v27  }
0x226: {  	v5 =	vadd.s32 $0x8, v5;
	v9 =	vsub.f32 v9, v19;
	v27 =	vld.idx.msk [tilespmem:v16+s15+$0x0], $0xffff;
	v22 =	vadd.f32 v22, v24  }
0x227: {  	v19 =	vor.u32 v3, v11;
	v11 =	vand.u32 $0x7FFFFFFF, v15;
	v24 =	vsub.f32 v13, v12;
	v14 =	vld.idx.msk [tilespmem:v14+s17+$0x0], $0xffff  }
0x228: {  	v5 =	vand.u32 $0x7F, v5;
	v13 =	vor.u32 v3, v20;
	v28 =	vld.idx.msk [tilespmem:v16+s17+$0x0], $0xffff;
	v11 =	vadd.f32 v11, v22  }
0x229: {  	v20 =	vor.u32 v3, v5;
	v12 =	vadd.s32 $0x1, v5;
	v10 =	vsub.f32 v10, v18;
	v16 =	vld.idx.msk [tilespmem:v17+s15+$0x0], $0xffff  }
0x22a: {  	v15 =	vadd.s32 $0x2, v5;
	v12 =	vand.u32 $0x7F, v12;
	v17 =	vld.idx.msk [tilespmem:v17+s17+$0x0], $0xffff;
	v18 =	vadd.f32 v23, v11  }
0x22b: {  	v11 =	vor.u32 v3, v12;
	v12 =	vand.u32 $0x7F, v15;
	v23 =	vand.u32 $0x7FFFFFFF, v9;
	v22 =	vld.idx.msk [tilespmem:v6+s17+$0x0], $0xffff  }
0x22c: {  	v29 =	vand.u32 $0x7FFFFFFF, v10;
	v6 =	vor.u32 v3, v12;
	v9 =	vld.idx.msk [tilespmem:v19+s15+$0x0], $0xffff;
	v10 =	vadd.f32 v21, v18  }
0x22d: {  	v25 =	vsub.f32 v8, v25;
	v18 =	vadd.s32 $0x3, v5;
	v15 =	vsub.f32 v26, v14;
	v12 =	vld.idx.msk [tilespmem:v13+s17+$0x0], $0xffff  }
0x22e: {  	v26 =	vadd.s32 $0x7, v5;
	v8 =	vand.u32 $0x7F, v18;
	v13 =	vld.idx.msk [tilespmem:v13+s15+$0x0], $0xffff;
	v18 =	vadd.f32 v23, v10  }
.Ltmp6:
0x22f: {  	v14 =	vor.u32 v3, v8;
	v8 =	vadd.s32 $0x4, v5;
	v23 =	vand.u32 $0x7FFFFFFF, v24;
	v10 =	vld.idx.msk [tilespmem:v20+s15+$0x0], $0xffff;
	(pc) =	sbr.rel @p0 .LBB2_14-.Ltmp6, $4  }
0x230: {  	v8 =	vand.u32 $0x7F, v8;
	v21 =	vsub.f32 v16, v17;
	v19 =	vld.idx.msk [tilespmem:v19+s17+$0x0], $0xffff;
	v17 =	vadd.f32 v23, v18  }
0x231: {  	v16 =	vor.u32 v3, v8;
	v18 =	vadd.s32 $0x5, v5;
	v22 =	vsub.f32 v7, v22;
	v7 =	vld.idx.msk [tilespmem:v6+s15+$0x0], $0xffff  }
0x232: {  	v23 =	vsub.f32 v27, v28;
	v30 =	vand.u32 $0x7F, v18;
	v8 =	vld.idx.msk [tilespmem:v11+s15+$0x0], $0xffff;
	v24 =	vadd.f32 v29, v17  }
0x233: {  	v25 =	vand.u32 $0x7FFFFFFF, v25;
	v17 =	vor.u32 v3, v30;
	v18 =	vld.idx.msk [tilespmem:v20+s17+$0x0], $0xffff;
	v20 =	vand.u32 $0x7F, v26  }
0x234: {  	v24 =	vadd.f32 v25, v24  }
0x235: {  	v22 =	vand.u32 $0x7FFFFFFF, v22  }
0x236: {  	v22 =	vadd.f32 v22, v24  }
0x237: {  	v15 =	vand.u32 $0x7FFFFFFF, v15  }
0x238: {  	v15 =	vadd.f32 v15, v22  }
0x239: {  	v22 =	vand.u32 $0x7FFFFFFF, v23  }
0x23a: {  	v15 =	vadd.f32 v22, v15  }
0x23b: {  	v21 =	vand.u32 $0x7FFFFFFF, v21;
	v9 =	vsub.f32 v9, v19  }
0x23c: {  	v11 =	vld.idx.msk [tilespmem:v11+s17+$0x0], $0xffff;
	v15 =	vadd.f32 v21, v15  }
0x23d: {  	v12 =	vsub.f32 v13, v12;
	v9 =	vand.u32 $0x7FFFFFFF, v9  }
0x23e: {  	v5 =	vadd.s32 $0x6, v5;
	v6 =	vld.idx.msk [tilespmem:v6+s17+$0x0], $0xffff;
	v9 =	vadd.f32 v9, v15  }
0x23f: {  	v13 =	vld.idx.msk [tilespmem:v14+s15+$0x0], $0xffff;
	v5 =	vand.u32 $0x7F, v5;
	v12 =	vand.u32 $0x7FFFFFFF, v12;
	v10 =	vsub.f32 v10, v18  }
0x240: {  	v14 =	vld.idx.msk [tilespmem:v14+s17+$0x0], $0xffff;
	v5 =	vor.u32 v3, v5;
	v9 =	vadd.f32 v12, v9  }
0x241: {  	v8 =	vsub.f32 v8, v11;
	v11 =	vld.idx.msk [tilespmem:v16+s17+$0x0], $0xffff;
	v10 =	vand.u32 $0x7FFFFFFF, v10  }
0x242: {  	v15 =	vor.u32 v3, v20;
	v12 =	vld.idx.msk [tilespmem:v16+s15+$0x0], $0xffff;
	v9 =	vadd.f32 v10, v9  }
0x243: {  	v6 =	vsub.f32 v7, v6;
	v7 =	vand.u32 $0x7FFFFFFF, v8;
	v8 =	vld.idx.msk [tilespmem:v17+s17+$0x0], $0xffff  }
0x244: {  	v10 =	vld.idx.msk [tilespmem:v17+s15+$0x0], $0xffff;
	v7 =	vadd.f32 v7, v9  }
0x245: {  	v13 =	vsub.f32 v13, v14;
	v6 =	vand.u32 $0x7FFFFFFF, v6;
	v9 =	vld.idx.msk [tilespmem:v5+s15+$0x0], $0xffff  }
0x246: {  	v5 =	vld.idx.msk [tilespmem:v5+s17+$0x0], $0xffff;
	v6 =	vadd.f32 v6, v7  }
0x247: {  	v11 =	vsub.f32 v12, v11;
	v12 =	vand.u32 $0x7FFFFFFF, v13;
	v13 =	vld.idx.msk [tilespmem:v15+s15+$0x0], $0xffff  }
0x248: {  	v7 =	vld.idx.msk [tilespmem:v15+s17+$0x0], $0xffff;
	v6 =	vadd.f32 v12, v6  }
0x249: {  	v8 =	vsub.f32 v10, v8;
	v10 =	vand.u32 $0x7FFFFFFF, v11  }
0x24a: {  	v6 =	vadd.f32 v10, v6  }
0x24b: {  	v8 =	vand.u32 $0x7FFFFFFF, v8;
	v5 =	vsub.f32 v9, v5  }
0x24c: {  	v6 =	vadd.f32 v8, v6  }
0x24d: {  	v7 =	vsub.f32 v13, v7;
	v5 =	vand.u32 $0x7FFFFFFF, v5  }
0x24e: {  	v5 =	vadd.f32 v5, v6  }
0x24f: {  	v6 =	vand.u32 $0x7FFFFFFF, v7;
	v7 =	vlaneseq.u32  }
0x250: {  	v8 =	vor.u32 v4, v7;
	v9 =	vadd.s32 $0x1, v7;
	v5 =	vadd.f32 v6, v5  }
0x251: {  	v9 =	vand.u32 $0x7F, v9  }
0x252: {  	v12 =	vadd.s32 $0x5, v7;
	v9 =	vor.u32 v4, v9;
	v5 =	vsub.f32 $1.200000000e+01, v5  }
0x253: {  	v12 =	vand.u32 $0x7F, v12  }
0x254: {  	v6 =	vadd.s32 $0x2, v7;
	v12 =	vor.u32 v4, v12;
	[tilespmem:$0xC360] =	vst v5  }
0x255: {  	v10 =	vadd.s32 $0x3, v7;
	v6 =	vand.u32 $0x7F, v6;
	v11 =	vld.idx.msk [tilespmem:v8+s15+$0x0], $0xffff  }
0x256: {  	v10 =	vand.u32 $0x7F, v10;
	v6 =	vor.u32 v4, v6;
	v8 =	vld.idx.msk [tilespmem:v8+s17+$0x0], $0xffff  }
0x257: {  	v5 =	vor.u32 v4, v10;
	v13 =	vld.idx.msk [tilespmem:v9+s15+$0x0], $0xffff  }
0x258: {  	v10 =	vadd.s32 $0x4, v7;
	v16 =	vld.idx.msk [tilespmem:v9+s17+$0x0], $0xffff  }
0x259: {  	v10 =	vand.u32 $0x7F, v10;
	v21 =	vld.idx.msk [tilespmem:v12+s15+$0x0], $0xffff  }
0x25a: {  	v15 =	vadd.s32 $0x6, v7;
	v10 =	vor.u32 v4, v10;
	v22 =	vld.idx.msk [tilespmem:v12+s17+$0x0], $0xffff  }
0x25b: {  	v15 =	vand.u32 $0x7F, v15;
	v9 =	vadd.s32 $0x7, v7;
	v17 =	vld.idx.msk [tilespmem:v6+s15+$0x0], $0xffff  }
0x25c: {  	v20 =	vor.u32 v4, v15;
	v9 =	vand.u32 $0x7F, v9;
	v14 =	vld.idx.msk [tilespmem:v5+s15+$0x0], $0xffff  }
0x25d: {  	v19 =	vld.idx.msk [tilespmem:v5+s17+$0x0], $0xffff;
	v5 =	vadd.s32 $0x8, v7;
	v7 =	vor.u32 v4, v9  }
0x25e: {  	v24 =	vld.idx.msk [tilespmem:v6+s17+$0x0], $0xffff;
	v5 =	vand.u32 $0x7F, v5  }
0x25f: {  	v18 =	vld.idx.msk [tilespmem:v10+s15+$0x0], $0xffff;
	v9 =	vadd.s32 $0x2, v5  }
0x260: {  	v8 =	vsub.f32 v11, v8;
	v23 =	vld.idx.msk [tilespmem:v10+s17+$0x0], $0xffff;
	v25 =	vor.u32 v4, v5;
	v9 =	vand.u32 $0x7F, v9  }
0x261: {  	v26 =	vimm.f32 $0.0e+00;
	v10 =	vadd.s32 $0x1, v5;
	v6 =	vor.u32 v4, v9;
	v9 =	vld.idx.msk [tilespmem:v20+s15+$0x0], $0xffff  }
0x262: {  	v10 =	vand.u32 $0x7F, v10;
	v27 =	vand.u32 $0x7FFFFFFF, v8;
	v8 =	vadd.s32 $0x3, v5;
	v12 =	vld.idx.msk [tilespmem:v7+s17+$0x0], $0xffff  }
0x263: {  	v28 =	vsub.f32 v13, v16;
	v11 =	vor.u32 v4, v10;
	v13 =	vld.idx.msk [tilespmem:v7+s15+$0x0], $0xffff;
	v7 =	vand.u32 $0x7F, v8  }
0x264: {  	v15 =	vsub.f32 v14, v19;
	v8 =	vadd.s32 $0x4, v5;
	v19 =	vld.idx.msk [tilespmem:v20+s17+$0x0], $0xffff;
	v14 =	vor.u32 v4, v7  }
0x265: {  	v29 =	vadd.s32 $0x7, v5;
	v21 =	vsub.f32 v21, v22;
	v8 =	vand.u32 $0x7F, v8;
	v10 =	vld.idx.msk [tilespmem:v25+s15+$0x0], $0xffff  }
0x266: {  	v20 =	vadd.s32 $0x5, v5;
	v16 =	vor.u32 v4, v8;
	v23 =	vsub.f32 v18, v23;
	v18 =	vld.idx.msk [tilespmem:v25+s17+$0x0], $0xffff  }
0x267: {  	v22 =	vsub.f32 v17, v24;
	v24 =	vadd.f32 v27, v26;
	v17 =	vand.u32 $0x7F, v20;
	v7 =	vld.idx.msk [tilespmem:v6+s15+$0x0], $0xffff  }
0x268: {  	s26 =	simm.s32 $0x8;
	v20 =	vand.u32 $0x7F, v29;
	v17 =	vor.u32 v4, v17;
	v25 =	vand.u32 $0x7FFFFFFF, v28;
	v8 =	vld.idx.msk [tilespmem:v11+s15+$0x0], $0xffff  }
.LBB2_16:
0x269: {  	s26 =	sadd.s32 $0x8, s26;
	v26 =	vld.idx.msk [tilespmem:v14+s15+$0x0], $0xffff;
	v27 =	vadd.s32 $0x6, v5;
	v24 =	vadd.f32 v25, v24;
	v22 =	vand.u32 $0x7FFFFFFF, v22  }
0x26a: {  	v23 =	vand.u32 $0x7FFFFFFF, v23;
	v21 =	vand.u32 $0x7FFFFFFF, v21;
	p0 =	slt.u32 s26, $0x78;
	v25 =	vld.idx.msk [tilespmem:v11+s17+$0x0], $0xffff;
	v11 =	vand.u32 $0x7F, v27  }
0x26b: {  	v5 =	vadd.s32 $0x8, v5;
	v9 =	vsub.f32 v9, v19;
	v27 =	vld.idx.msk [tilespmem:v16+s15+$0x0], $0xffff;
	v22 =	vadd.f32 v22, v24  }
0x26c: {  	v19 =	vor.u32 v4, v11;
	v11 =	vand.u32 $0x7FFFFFFF, v15;
	v24 =	vsub.f32 v13, v12;
	v14 =	vld.idx.msk [tilespmem:v14+s17+$0x0], $0xffff  }
0x26d: {  	v5 =	vand.u32 $0x7F, v5;
	v13 =	vor.u32 v4, v20;
	v28 =	vld.idx.msk [tilespmem:v16+s17+$0x0], $0xffff;
	v11 =	vadd.f32 v11, v22  }
0x26e: {  	v20 =	vor.u32 v4, v5;
	v12 =	vadd.s32 $0x1, v5;
	v10 =	vsub.f32 v10, v18;
	v16 =	vld.idx.msk [tilespmem:v17+s15+$0x0], $0xffff  }
0x26f: {  	v15 =	vadd.s32 $0x2, v5;
	v12 =	vand.u32 $0x7F, v12;
	v17 =	vld.idx.msk [tilespmem:v17+s17+$0x0], $0xffff;
	v18 =	vadd.f32 v23, v11  }
0x270: {  	v11 =	vor.u32 v4, v12;
	v12 =	vand.u32 $0x7F, v15;
	v23 =	vand.u32 $0x7FFFFFFF, v9;
	v22 =	vld.idx.msk [tilespmem:v6+s17+$0x0], $0xffff  }
0x271: {  	v29 =	vand.u32 $0x7FFFFFFF, v10;
	v6 =	vor.u32 v4, v12;
	v9 =	vld.idx.msk [tilespmem:v19+s15+$0x0], $0xffff;
	v10 =	vadd.f32 v21, v18  }
0x272: {  	v25 =	vsub.f32 v8, v25;
	v18 =	vadd.s32 $0x3, v5;
	v15 =	vsub.f32 v26, v14;
	v12 =	vld.idx.msk [tilespmem:v13+s17+$0x0], $0xffff  }
0x273: {  	v26 =	vadd.s32 $0x7, v5;
	v8 =	vand.u32 $0x7F, v18;
	v13 =	vld.idx.msk [tilespmem:v13+s15+$0x0], $0xffff;
	v18 =	vadd.f32 v23, v10  }
.Ltmp7:
0x274: {  	v14 =	vor.u32 v4, v8;
	v8 =	vadd.s32 $0x4, v5;
	v23 =	vand.u32 $0x7FFFFFFF, v24;
	v10 =	vld.idx.msk [tilespmem:v20+s15+$0x0], $0xffff;
	(pc) =	sbr.rel @p0 .LBB2_16-.Ltmp7, $4  }
0x275: {  	v8 =	vand.u32 $0x7F, v8;
	v21 =	vsub.f32 v16, v17;
	v19 =	vld.idx.msk [tilespmem:v19+s17+$0x0], $0xffff;
	v17 =	vadd.f32 v23, v18  }
0x276: {  	v16 =	vor.u32 v4, v8;
	v18 =	vadd.s32 $0x5, v5;
	v22 =	vsub.f32 v7, v22;
	v7 =	vld.idx.msk [tilespmem:v6+s15+$0x0], $0xffff  }
0x277: {  	v23 =	vsub.f32 v27, v28;
	v30 =	vand.u32 $0x7F, v18;
	v8 =	vld.idx.msk [tilespmem:v11+s15+$0x0], $0xffff;
	v24 =	vadd.f32 v29, v17  }
0x278: {  	v25 =	vand.u32 $0x7FFFFFFF, v25;
	v17 =	vor.u32 v4, v30;
	v18 =	vld.idx.msk [tilespmem:v20+s17+$0x0], $0xffff;
	v20 =	vand.u32 $0x7F, v26  }
0x279: {  	v24 =	vadd.f32 v25, v24  }
0x27a: {  	v22 =	vand.u32 $0x7FFFFFFF, v22  }
0x27b: {  	v22 =	vadd.f32 v22, v24  }
0x27c: {  	v15 =	vand.u32 $0x7FFFFFFF, v15  }
0x27d: {  	v15 =	vadd.f32 v15, v22  }
0x27e: {  	v52 =	vand.u32 $0x7FFFFFFF, v23  }
0x27f: {  	v15 =	vadd.f32 v52, v15  }
0x280: {  	v21 =	vand.u32 $0x7FFFFFFF, v21;
	v9 =	vsub.f32 v9, v19  }
0x281: {  	v11 =	vld.idx.msk [tilespmem:v11+s17+$0x0], $0xffff;
	v15 =	vadd.f32 v21, v15  }
0x282: {  	v12 =	vsub.f32 v13, v12;
	v9 =	vand.u32 $0x7FFFFFFF, v9  }
0x283: {  	v5 =	vadd.s32 $0x6, v5;
	v6 =	vld.idx.msk [tilespmem:v6+s17+$0x0], $0xffff;
	v9 =	vadd.f32 v9, v15  }
0x284: {  	v53 =	vld.idx.msk [tilespmem:v14+s15+$0x0], $0xffff;
	v5 =	vand.u32 $0x7F, v5;
	v12 =	vand.u32 $0x7FFFFFFF, v12;
	v10 =	vsub.f32 v10, v18  }
0x285: {  	v54 =	vld.idx.msk [tilespmem:v14+s17+$0x0], $0xffff;
	v5 =	vor.u32 v4, v5;
	v9 =	vadd.f32 v12, v9  }
0x286: {  	v55 =	vld.idx.msk [tilespmem:v16+s15+$0x0], $0xffff;
	v8 =	vsub.f32 v8, v11;
	v10 =	vand.u32 $0x7FFFFFFF, v10  }
0x287: {  	v56 =	vld.idx.msk [tilespmem:v16+s17+$0x0], $0xffff;
	v57 =	vor.u32 v4, v20;
	v9 =	vadd.f32 v10, v9  }
0x288: {  	v58 =	vld.idx.msk [tilespmem:v17+s15+$0x0], $0xffff;
	v6 =	vsub.f32 v7, v6;
	v7 =	vand.u32 $0x7FFFFFFF, v8  }
0x289: {  	v59 =	vld.idx.msk [tilespmem:v17+s17+$0x0], $0xffff;
	v7 =	vadd.f32 v7, v9  }
0x28a: {  	v13 =	vsub.f32 v53, v54;
	v60 =	vld.idx.msk [tilespmem:v5+s15+$0x0], $0xffff;
	v6 =	vand.u32 $0x7FFFFFFF, v6  }
0x28b: {  	v5 =	vld.idx.msk [tilespmem:v5+s17+$0x0], $0xffff;
	v6 =	vadd.f32 v6, v7  }
0x28c: {  	v11 =	vsub.f32 v55, v56;
	v62 =	vld.idx.msk [tilespmem:v57+s15+$0x0], $0xffff;
	v61 =	vand.u32 $0x7FFFFFFF, v13  }
0x28d: {  	v7 =	vld.idx.msk [tilespmem:v57+s17+$0x0], $0xffff;
	v6 =	vadd.f32 v61, v6  }
0x28e: {  	v8 =	vsub.f32 v58, v59;
	v63 =	vand.u32 $0x7FFFFFFF, v11  }
0x28f: {  	v6 =	vadd.f32 v63, v6  }
0x290: {  	v8 =	vand.u32 $0x7FFFFFFF, v8;
	v5 =	vsub.f32 v60, v5  }
0x291: {  	v6 =	vadd.f32 v8, v6  }
0x292: {  	v5 =	vand.u32 $0x7FFFFFFF, v5;
	v7 =	vsub.f32 v62, v7  }
0x293: {  	v5 =	vadd.f32 v5, v6  }
0x294: {  	v6 =	vand.u32 $0x7FFFFFFF, v7  }
0x295: {  	v5 =	vadd.f32 v6, v5;
	_ =	sdelay $0x1  }
0x296: {  	s25 =	sadd.s32 $0x1, s25;
	v5 =	vsub.f32 $1.200000000e+01, v5  }
0x297: {  	p0 =	sne.s32 s25, s7  }
.Ltmp8:
0x298: {  	[tilespmem:$0xC370] =	vst v5;
	(pc) =	sbr.rel @p0 .LBB2_1-.Ltmp8, $4  }
0x299: {  	[hbm4b:s6+s4] =	stream.linear.scatter [tilespmem:s24], [sflag:$0x5], $0x80, $0x38;
	[tilespmem:$0xC380] =	vst v63  }
0x29a: {  	_ =	swait.ge [sflag:s8], $0x80  }
0x29b: {  	[sflag:s8] =	ssyncset.done $0x0  }
0x29c: {  	[sflag:s8] =	ssyncadd.s32 $0xFFFFFF80  }
0x29d: {  	_ =	sfence.sel $0x180000  }
0x29e: {  	[bflag:$0x0] =	sbarrier.arrive $0xFFFF  }
0x29f: {  	p0 =	sne.s32 s2, $0x0;
	_ =	strace $0x90000047  }
0x2a0: {  	s0 =	sadd.s32 @!p0 $0x100000, s0;
	[bflag:$0x2] =	sbarrier.arrive $0xFFFF  }
0x2a1: {  	[sflag:s0] =	ssyncadd.tile.s32 @!p0 $0x1;
	_ =	shalt  }
.Lfunc_end2:
_tile_overlayer_lowered:
.L_overlay_start_2:
0x2a2: {  	(tag) =	ssettag $0x2  }
0x2a3: {  	s0 =	rddreg [dreg:$0x0];
	s2 =	stileid.u32  }
0x2a4: {  	s1 =	rddreg [dreg:$0x1];
	p0 =	sne.s32 s2, $0x0  }
0x2a5: {  	s3 =	rddreg [dreg:$0x2];
	[bflag:$0x3] =	sbarrier.arrive $0xFFFF;
	s2 =	simm.s32 @!p0 $0x1C05  }
0x2a6: {  	[timem:s3], [sflag:s2] =	dma.local @!p0 [hbm:s0], s1  }
0x2a7: {  	s0 =	simm.s32 @!p0 $0x5  }
0x2a8: {  	_ =	swait.ge @!p0 [sflag:s0], s1  }
0x2a9: {  	s1 =	ssub.s32 @!p0 $0x0, s1;
	[sflag:s0] =	ssyncset.done @!p0 $0x0  }
0x2aa: {  	[sflag:s0] =	ssyncadd.s32 @!p0 s1  }
0x2ab: {  	[bflag:$0x3] =	sbarrier.arrive $0xFFFF  }
0x2ac: {  	_ =	shalt  }

</sc_bundles>
